<compile_context>
chip_gen: v7x
topology: tpu7x:2x2x1
jax: 0.10.2.dev20260603
libtpu: 0.0.44.dev20260713+nightly
codegen_flags: <defaults>
</compile_context>

<pallas_src>
import functools

import jax
import jax.numpy as jnp
from jax import lax
from jax.experimental import pallas as pl
from jax.experimental.pallas import tpu as pltpu
from jax.experimental.pallas import tpu_sc as plsc

N_NODES = 10000
N_EDGES = 320000
D_IN = 128
D_HID = 128
D_OUT = 16

NC = 2
NS = 16
NW = NC * NS
CHUNK = 128
CPT = 79
EPT = CPT * CHUNK
E_PAD = NW * EPT
V_PAD = 10240
RPT = V_PAD // NS
RCH = RPT // CHUNK

_mesh = functools.partial(
    plsc.VectorSubcoreMesh,
    core_axis_name="c", subcore_axis_name="s", num_cores=NC, num_subcores=NS,
)


@functools.lru_cache(maxsize=None)
def _sc_edge_scatter(width):

    @functools.partial(
        pl.kernel,
        out_type=jax.ShapeDtypeStruct((NC, V_PAD, width), jnp.float32),
        mesh=_mesh(),
        compiler_params=pltpu.CompilerParams(use_tc_tiling_on_sc=False),
        scratch_types=[
            pltpu.VMEM((CPT, CHUNK), jnp.int32),
            pltpu.VMEM((CPT, CHUNK), jnp.int32),
            pltpu.VMEM((CHUNK, width), jnp.float32),
            pltpu.VMEM_SHARED((V_PAD, width), jnp.float32),
            pltpu.SemaphoreType.DMA,
        ],
    )
    def body(table_hbm, src_hbm, dst_hbm, zeros_hbm, out_hbm,
             src_v, dst_v, rows_v, agg_sh, sem):
        c = lax.axis_index("c")
        s = lax.axis_index("s")
        w = c * NS + s
        base = s * RPT

        pltpu.sync_copy(zeros_hbm, rows_v)
        def zero_body(r, carry):
            pltpu.sync_copy(rows_v, agg_sh.at[pl.ds(base + r * CHUNK, CHUNK), :])
            return carry
        lax.fori_loop(0, RCH, zero_body, 0)

        pltpu.sync_copy(src_hbm.at[w], src_v)
        pltpu.sync_copy(dst_hbm.at[w], dst_v)
        plsc.subcore_barrier()

        def edge_body(j, carry):
            pltpu.async_copy(table_hbm.at[src_v.at[j]], rows_v, sem).wait()
            pltpu.sync_copy(rows_v, agg_sh.at[dst_v.at[j]], add=True)
            return carry
        lax.fori_loop(0, CPT, edge_body, 0)
        plsc.subcore_barrier()

        def out_body(r, carry):
            off = base + r * CHUNK
            pltpu.sync_copy(agg_sh.at[pl.ds(off, CHUNK), :], rows_v)
            pltpu.sync_copy(rows_v, out_hbm.at[c, pl.ds(off, CHUNK), :])
            return carry
        lax.fori_loop(0, RCH, out_body, 0)

    return body


DEG_W = 16


@functools.lru_cache(maxsize=None)
def _sc_degree():

    @functools.partial(
        pl.kernel,
        out_type=jax.ShapeDtypeStruct((NC, V_PAD, DEG_W), jnp.float32),
        mesh=_mesh(),
        compiler_params=pltpu.CompilerParams(use_tc_tiling_on_sc=False),
        scratch_types=[
            pltpu.VMEM((CPT, CHUNK), jnp.int32),
            pltpu.VMEM((CHUNK, DEG_W), jnp.float32),
            pltpu.VMEM((CHUNK, DEG_W), jnp.float32),
            pltpu.VMEM_SHARED((V_PAD, DEG_W), jnp.float32),
            pltpu.SemaphoreType.DMA,
        ],
    )
    def body(dst_hbm, zeros_hbm, ones_hbm, out_hbm, dst_v, buf_v, ones_v,
             deg_sh, sem):
        c = lax.axis_index("c")
        s = lax.axis_index("s")
        w = c * NS + s
        base = s * RPT

        pltpu.sync_copy(zeros_hbm, buf_v)
        def zero_body(r, carry):
            pltpu.sync_copy(buf_v, deg_sh.at[pl.ds(base + r * CHUNK, CHUNK), :])
            return carry
        lax.fori_loop(0, RCH, zero_body, 0)

        pltpu.sync_copy(ones_hbm, ones_v)
        pltpu.sync_copy(dst_hbm.at[w], dst_v)
        plsc.subcore_barrier()

        def edge_body(j, carry):
            pltpu.async_copy(ones_v, deg_sh.at[dst_v.at[j]], sem, add=True)
            return carry
        lax.fori_loop(0, CPT, edge_body, 0)
        def drain_body(j, carry):
            pltpu.make_async_copy(ones_v, deg_sh.at[dst_v.at[j]], sem).wait()
            return carry
        lax.fori_loop(0, CPT, drain_body, 0)
        plsc.subcore_barrier()

        def out_body(r, carry):
            off = base + r * CHUNK
            pltpu.sync_copy(deg_sh.at[pl.ds(off, CHUNK), :], buf_v)
            pltpu.sync_copy(buf_v, out_hbm.at[c, pl.ds(off, CHUNK), :])
            return carry
        lax.fori_loop(0, RCH, out_body, 0)

    return body


def _tc_layer1(x, W1, deg_parts):
    B = 1000

    def body(x_ref, w_ref, dp_ref, hn_ref, dis_ref):
        h = jnp.dot(x_ref[...], w_ref[...], preferred_element_type=jnp.float32)
        deg = dp_ref[0][:, :1] + dp_ref[1][:, :1] + 1.0
        dis = lax.rsqrt(deg)
        hn_ref[...] = h * dis
        dis_ref[...] = jnp.broadcast_to(dis, (B, DEG_W))

    return pl.pallas_call(
        body,
        grid=(N_NODES // B,),
        in_specs=[
            pl.BlockSpec((B, D_IN), lambda i: (i, 0)),
            pl.BlockSpec((D_IN, D_HID), lambda i: (0, 0)),
            pl.BlockSpec((NC, B, DEG_W), lambda i: (0, i, 0)),
        ],
        out_specs=[
            pl.BlockSpec((B, D_HID), lambda i: (i, 0)),
            pl.BlockSpec((B, DEG_W), lambda i: (i, 0)),
        ],
        out_shape=[
            jax.ShapeDtypeStruct((N_NODES, D_HID), jnp.float32),
            jax.ShapeDtypeStruct((N_NODES, DEG_W), jnp.float32),
        ],
    )(x, W1, deg_parts)


def _tc_layer2(agg_parts, hn1, dis8, b1, W2):
    B = 1000

    def body(ap_ref, hn_ref, dis_ref, b1_ref, w2_ref, out_ref):
        s = ap_ref[0] + ap_ref[1] + hn_ref[...]
        dis = dis_ref[:, :1]
        y = jnp.maximum(s * dis + b1_ref[...], 0.0)
        out_ref[...] = jnp.dot(y, w2_ref[...],
                               preferred_element_type=jnp.float32) * dis

    return pl.pallas_call(
        body,
        grid=(N_NODES // B,),
        in_specs=[
            pl.BlockSpec((NC, B, D_HID), lambda i: (0, i, 0)),
            pl.BlockSpec((B, D_HID), lambda i: (i, 0)),
            pl.BlockSpec((B, DEG_W), lambda i: (i, 0)),
            pl.BlockSpec((1, D_HID), lambda i: (0, 0)),
            pl.BlockSpec((D_HID, D_OUT), lambda i: (0, 0)),
        ],
        out_specs=pl.BlockSpec((B, D_OUT), lambda i: (i, 0)),
        out_shape=jax.ShapeDtypeStruct((N_NODES, D_OUT), jnp.float32),
    )(agg_parts, hn1, dis8, b1, W2)


def _tc_final(agg_parts, hn2, dis8, b2):
    B = 1000

    def body(ap_ref, hn_ref, dis_ref, b2_ref, out_ref):
        z = (ap_ref[0] + ap_ref[1] + hn_ref[...]) * dis_ref[:, :1] + b2_ref[...]
        zm = z - jnp.max(z, axis=1, keepdims=True)
        out_ref[...] = zm - jnp.log(
            jnp.sum(jnp.exp(zm), axis=1, keepdims=True))

    return pl.pallas_call(
        body,
        grid=(N_NODES // B,),
        in_specs=[
            pl.BlockSpec((NC, B, D_OUT), lambda i: (0, i, 0)),
            pl.BlockSpec((B, D_OUT), lambda i: (i, 0)),
            pl.BlockSpec((B, DEG_W), lambda i: (i, 0)),
            pl.BlockSpec((1, D_OUT), lambda i: (0, 0)),
        ],
        out_specs=pl.BlockSpec((B, D_OUT), lambda i: (i, 0)),
        out_shape=jax.ShapeDtypeStruct((N_NODES, D_OUT), jnp.float32),
    )(agg_parts, hn2, dis8, b2)


def kernel(x, edge_index, W1, b1, W2, b2):
    ei = edge_index.astype(jnp.int32)
    pad = E_PAD - N_EDGES
    src3 = jnp.concatenate(
        [ei[0], jnp.zeros((pad,), jnp.int32)]).reshape(NW, CPT, CHUNK)
    dst3 = jnp.concatenate(
        [ei[1], jnp.full((pad,), N_NODES, jnp.int32)]).reshape(NW, CPT, CHUNK)

    zeros_w = jnp.zeros((CHUNK, DEG_W), jnp.float32)
    ones_w = jnp.ones((CHUNK, DEG_W), jnp.float32)
    deg_parts = _sc_degree()(dst3, zeros_w, ones_w)

    hn1, dis8 = _tc_layer1(x, W1, deg_parts)
    agg1 = _sc_edge_scatter(D_HID)(
        hn1, src3, dst3, jnp.zeros((CHUNK, D_HID), jnp.float32))

    hn2 = _tc_layer2(agg1, hn1, dis8, b1.reshape(1, D_HID), W2)
    agg2 = _sc_edge_scatter(D_OUT)(
        hn2, src3, dst3, jnp.zeros((CHUNK, D_OUT), jnp.float32))

    return _tc_final(agg2, hn2, dis8, b2.reshape(1, D_OUT))

# --- scband reference (transcript-rebuilt; emitter-appended) ---
"""Pipeline reference for scband-gcn-33758442947404 (READ-ONLY COPY).

The authoritative reference and input builder live on the scoring server;
editing this copy changes nothing except your own understanding.
"""

import jax, jax.numpy as jnp
import numpy as np

NUM_NODES = 10000
NUM_EDGES = 320000
D_FEAT = 128
HIDDEN = 128
NUM_CLASSES = 16


def setup_inputs(seed: int = 0) -> dict:
    key = jax.random.key(seed)
    k_x, k_ei, k_w1, k_b1, k_w2, k_b2 = jax.random.split(key, 6)
    x = jax.random.normal(k_x, (NUM_NODES, D_FEAT), dtype=jnp.float32)
    edge_index = jax.random.randint(k_ei, (2, NUM_EDGES), 0, NUM_NODES, dtype=jnp.int64)
    # glorot-style init for GCNConv weights, zeros for bias (PyG default)
    s1 = (6.0 / (D_FEAT + HIDDEN)) ** 0.5
    W1 = jax.random.uniform(k_w1, (D_FEAT, HIDDEN), dtype=jnp.float32, minval=-s1, maxval=s1)
    b1 = jnp.zeros((HIDDEN,), dtype=jnp.float32)
    s2 = (6.0 / (HIDDEN + NUM_CLASSES)) ** 0.5
    W2 = jax.random.uniform(k_w2, (HIDDEN, NUM_CLASSES), dtype=jnp.float32, minval=-s2, maxval=s2)
    b2 = jnp.zeros((NUM_CLASSES,), dtype=jnp.float32)
    return {"x": x, "edge_index": edge_index, "W1": W1, "b1": b1, "W2": W2, "b2": b2}


def _gcn_conv(x, src, dst, W, b, num_nodes):
    # GCNConv: D^{-1/2} (A + I) D^{-1/2} X W + b
    loop = jnp.arange(num_nodes, dtype=src.dtype)
    src_l = jnp.concatenate([src, loop])
    dst_l = jnp.concatenate([dst, loop])
    deg = jnp.zeros((num_nodes,), dtype=x.dtype).at[dst_l].add(1.0)
    deg_inv_sqrt = jnp.where(deg > 0, jax.lax.rsqrt(deg), 0.0)
    norm = deg_inv_sqrt[src_l] * deg_inv_sqrt[dst_l]
    h = x @ W
    msg = h[src_l] * norm[:, None]
    out = jnp.zeros((num_nodes, h.shape[1]), dtype=h.dtype).at[dst_l].add(msg)
    return out + b


def reference(x, edge_index, W1, b1, W2, b2):
    src, dst = edge_index[0], edge_index[1]
    h = _gcn_conv(x, src, dst, W1, b1, NUM_NODES)
    h = jax.nn.relu(h)
    # dropout is identity in eval mode
    h = _gcn_conv(h, src, dst, W2, b2, NUM_NODES)
    return jax.nn.log_softmax(h, axis=1)

if __name__ == "__main__":
    import jax
    _d = setup_inputs()
    print(jax.jit(kernel)(*tuple(_d.values())))

</pallas_src>

<mosaic_0001>
#map = affine_map<(d0, d1) -> (0, 0)>
#map1 = affine_map<(d0, d1) -> (0, 0, 0)>
module attributes {stable_mosaic.version = 14 : i64} {
  func.func @body(%arg0: i32, %arg1: i32, %arg2: memref<10000x16xf32, #tpu.memory_space<hbm>>, %arg3: memref<32x79x128xi32, #tpu.memory_space<hbm>>, %arg4: memref<32x79x128xi32, #tpu.memory_space<hbm>>, %arg5: memref<128x16xf32, #tpu.memory_space<hbm>>, %arg6: memref<2x10240x16xf32, #tpu.memory_space<hbm>>, %arg7: memref<79x128xi32, #tpu.memory_space<vmem>>, %arg8: memref<79x128xi32, #tpu.memory_space<vmem>>, %arg9: memref<128x16xf32, #tpu.memory_space<vmem>>, %arg10: memref<10240x16xf32, #tpu.memory_space<vmem_shared>>, %arg11: memref<!tpu.dma_semaphore, #tpu.memory_space<semaphore_mem>>) attributes {dimension_semantics = [#tpu.dimension_semantics<core_parallel>, #tpu.dimension_semantics<subcore_parallel>], iteration_bounds = array<i64: 2, 16>, scalar_prefetch = 0 : i64, scratch_operands = 5 : i64, tpu.core_type = #tpu.core_type<sc_vector_subcore>, window_params = [{transform_indices = #map}, {transform_indices = #map1}, {transform_indices = #map1}, {transform_indices = #map}, {transform_indices = #map1}]} {
    %mul3A = arith.constant 16 : i32
    %mul3A_0 = arith.muli %arg0, %mul3A : i32
    %add3A = arith.addi %mul3A_0, %arg1 : i32
    %mul3A_1 = arith.constant 640 : i32
    %mul3A_2 = arith.muli %arg1, %mul3A_1 : i32
    "tpu.region"() ({
      %run_scoped3A = tpu.sem_alloc : memref<!tpu.dma_semaphore, #tpu.memory_space<semaphore_mem>>
      tpu.enqueue_dma source(%arg5 : memref<128x16xf32, #tpu.memory_space<hbm>>) target(%arg9 : memref<128x16xf32, #tpu.memory_space<vmem>>) target_semaphore(%run_scoped3A : memref<!tpu.dma_semaphore, #tpu.memory_space<semaphore_mem>>)
      tpu.wait_dma2 semaphore(%run_scoped3A : memref<!tpu.dma_semaphore, #tpu.memory_space<semaphore_mem>>) src(%arg5 : memref<128x16xf32, #tpu.memory_space<hbm>>) dst(%arg9 : memref<128x16xf32, #tpu.memory_space<vmem>>)
      tpu.yield
    }) : () -> ()
    %scan3A = arith.constant 0 : i32
    %scan3A_3 = arith.constant 0 : i32
    %scan3A_4 = arith.constant 5 : i32
    %scan3A_5 = arith.addi %scan3A_3, %scan3A_4 : i32
    %scan3A_6 = arith.constant 1 : i32
    scf.for %scan3A_21 = %scan3A_3 to %scan3A_5 step %scan3A_6  : i32 {
      %mul3A_22 = arith.constant 128 : i32
      %mul3A_23 = arith.muli %scan3A_21, %mul3A_22 : i32
      %add3A_24 = arith.addi %mul3A_2, %mul3A_23 : i32
      "tpu.region"() ({
        %run_scoped3A = tpu.sem_alloc : memref<!tpu.dma_semaphore, #tpu.memory_space<semaphore_mem>>
        %dma_start3A = arith.constant 0 : i32
        %dma_start3A_25 = tpu.memref_slice %arg10[%add3A_24, %dma_start3A] : memref<10240x16xf32, #tpu.memory_space<vmem_shared>> -> memref<128x16xf32, #tpu.memory_space<vmem_shared>>
        %dma_start3A_26 = arith.constant 0 : i32
        %dma_start3A_27 = tpu.memref_slice %arg10[%add3A_24, %dma_start3A_26] : memref<10240x16xf32, #tpu.memory_space<vmem_shared>> -> memref<128x16xf32, #tpu.memory_space<vmem_shared>>
        tpu.enqueue_dma source(%arg9 : memref<128x16xf32, #tpu.memory_space<vmem>>) target(%dma_start3A_27 : memref<128x16xf32, #tpu.memory_space<vmem_shared>>) target_semaphore(%run_scoped3A : memref<!tpu.dma_semaphore, #tpu.memory_space<semaphore_mem>>)
        %dma_wait3A = arith.constant 0 : i32
        %dma_wait3A_28 = tpu.memref_slice %arg10[%add3A_24, %dma_wait3A] : memref<10240x16xf32, #tpu.memory_space<vmem_shared>> -> memref<128x16xf32, #tpu.memory_space<vmem_shared>>
        %dma_wait3A_29 = arith.constant 0 : i32
        %dma_wait3A_30 = tpu.memref_slice %arg10[%add3A_24, %dma_wait3A_29] : memref<10240x16xf32, #tpu.memory_space<vmem_shared>> -> memref<128x16xf32, #tpu.memory_space<vmem_shared>>
        tpu.wait_dma2 semaphore(%run_scoped3A : memref<!tpu.dma_semaphore, #tpu.memory_space<semaphore_mem>>) src(%arg9 : memref<128x16xf32, #tpu.memory_space<vmem>>) dst(%dma_wait3A_30 : memref<128x16xf32, #tpu.memory_space<vmem_shared>>)
        tpu.yield
      }) : () -> ()
    }
    %scan3A_7 = arith.constant 5 : i32
    "tpu.region"() ({
      %run_scoped3A = tpu.sem_alloc : memref<!tpu.dma_semaphore, #tpu.memory_space<semaphore_mem>>
      %dma_start3A = arith.constant 0 : i32
      %dma_start3A_21 = arith.constant 0 : i32
      %dma_start3A_22 = tpu.memref_slice %arg3[%add3A, %dma_start3A, %dma_start3A_21] : memref<32x79x128xi32, #tpu.memory_space<hbm>> -> memref<1x79x128xi32, #tpu.memory_space<hbm>>
      %dma_start3A_23 = tpu.memref_squeeze %dma_start3A_22 : memref<1x79x128xi32, #tpu.memory_space<hbm>> -> memref<79x128xi32, #tpu.memory_space<hbm>>
      %dma_start3A_24 = arith.constant 0 : i32
      %dma_start3A_25 = arith.constant 0 : i32
      %dma_start3A_26 = tpu.memref_slice %arg3[%add3A, %dma_start3A_24, %dma_start3A_25] : memref<32x79x128xi32, #tpu.memory_space<hbm>> -> memref<1x79x128xi32, #tpu.memory_space<hbm>>
      %dma_start3A_27 = tpu.memref_squeeze %dma_start3A_26 : memref<1x79x128xi32, #tpu.memory_space<hbm>> -> memref<79x128xi32, #tpu.memory_space<hbm>>
      tpu.enqueue_dma source(%dma_start3A_27 : memref<79x128xi32, #tpu.memory_space<hbm>>) target(%arg7 : memref<79x128xi32, #tpu.memory_space<vmem>>) target_semaphore(%run_scoped3A : memref<!tpu.dma_semaphore, #tpu.memory_space<semaphore_mem>>)
      %dma_wait3A = arith.constant 0 : i32
      %dma_wait3A_28 = arith.constant 0 : i32
      %dma_wait3A_29 = tpu.memref_slice %arg3[%add3A, %dma_wait3A, %dma_wait3A_28] : memref<32x79x128xi32, #tpu.memory_space<hbm>> -> memref<1x79x128xi32, #tpu.memory_space<hbm>>
      %dma_wait3A_30 = tpu.memref_squeeze %dma_wait3A_29 : memref<1x79x128xi32, #tpu.memory_space<hbm>> -> memref<79x128xi32, #tpu.memory_space<hbm>>
      %dma_wait3A_31 = arith.constant 0 : i32
      %dma_wait3A_32 = arith.constant 0 : i32
      %dma_wait3A_33 = tpu.memref_slice %arg3[%add3A, %dma_wait3A_31, %dma_wait3A_32] : memref<32x79x128xi32, #tpu.memory_space<hbm>> -> memref<1x79x128xi32, #tpu.memory_space<hbm>>
      %dma_wait3A_34 = tpu.memref_squeeze %dma_wait3A_33 : memref<1x79x128xi32, #tpu.memory_space<hbm>> -> memref<79x128xi32, #tpu.memory_space<hbm>>
      tpu.wait_dma2 semaphore(%run_scoped3A : memref<!tpu.dma_semaphore, #tpu.memory_space<semaphore_mem>>) src(%dma_wait3A_34 : memref<79x128xi32, #tpu.memory_space<hbm>>) dst(%arg7 : memref<79x128xi32, #tpu.memory_space<vmem>>)
      tpu.yield
    }) : () -> ()
    "tpu.region"() ({
      %run_scoped3A = tpu.sem_alloc : memref<!tpu.dma_semaphore, #tpu.memory_space<semaphore_mem>>
      %dma_start3A = arith.constant 0 : i32
      %dma_start3A_21 = arith.constant 0 : i32
      %dma_start3A_22 = tpu.memref_slice %arg4[%add3A, %dma_start3A, %dma_start3A_21] : memref<32x79x128xi32, #tpu.memory_space<hbm>> -> memref<1x79x128xi32, #tpu.memory_space<hbm>>
      %dma_start3A_23 = tpu.memref_squeeze %dma_start3A_22 : memref<1x79x128xi32, #tpu.memory_space<hbm>> -> memref<79x128xi32, #tpu.memory_space<hbm>>
      %dma_start3A_24 = arith.constant 0 : i32
      %dma_start3A_25 = arith.constant 0 : i32
      %dma_start3A_26 = tpu.memref_slice %arg4[%add3A, %dma_start3A_24, %dma_start3A_25] : memref<32x79x128xi32, #tpu.memory_space<hbm>> -> memref<1x79x128xi32, #tpu.memory_space<hbm>>
      %dma_start3A_27 = tpu.memref_squeeze %dma_start3A_26 : memref<1x79x128xi32, #tpu.memory_space<hbm>> -> memref<79x128xi32, #tpu.memory_space<hbm>>
      tpu.enqueue_dma source(%dma_start3A_27 : memref<79x128xi32, #tpu.memory_space<hbm>>) target(%arg8 : memref<79x128xi32, #tpu.memory_space<vmem>>) target_semaphore(%run_scoped3A : memref<!tpu.dma_semaphore, #tpu.memory_space<semaphore_mem>>)
      %dma_wait3A = arith.constant 0 : i32
      %dma_wait3A_28 = arith.constant 0 : i32
      %dma_wait3A_29 = tpu.memref_slice %arg4[%add3A, %dma_wait3A, %dma_wait3A_28] : memref<32x79x128xi32, #tpu.memory_space<hbm>> -> memref<1x79x128xi32, #tpu.memory_space<hbm>>
      %dma_wait3A_30 = tpu.memref_squeeze %dma_wait3A_29 : memref<1x79x128xi32, #tpu.memory_space<hbm>> -> memref<79x128xi32, #tpu.memory_space<hbm>>
      %dma_wait3A_31 = arith.constant 0 : i32
      %dma_wait3A_32 = arith.constant 0 : i32
      %dma_wait3A_33 = tpu.memref_slice %arg4[%add3A, %dma_wait3A_31, %dma_wait3A_32] : memref<32x79x128xi32, #tpu.memory_space<hbm>> -> memref<1x79x128xi32, #tpu.memory_space<hbm>>
      %dma_wait3A_34 = tpu.memref_squeeze %dma_wait3A_33 : memref<1x79x128xi32, #tpu.memory_space<hbm>> -> memref<79x128xi32, #tpu.memory_space<hbm>>
      tpu.wait_dma2 semaphore(%run_scoped3A : memref<!tpu.dma_semaphore, #tpu.memory_space<semaphore_mem>>) src(%dma_wait3A_34 : memref<79x128xi32, #tpu.memory_space<hbm>>) dst(%arg8 : memref<79x128xi32, #tpu.memory_space<vmem>>)
      tpu.yield
    }) : () -> ()
    %barrier3A = arith.constant 0 : index
    tpu.barrier barrier_id(%barrier3A)
    %scan3A_8 = arith.constant 0 : i32
    %scan3A_9 = arith.constant 0 : i32
    %scan3A_10 = arith.constant 79 : i32
    %scan3A_11 = arith.addi %scan3A_9, %scan3A_10 : i32
    %scan3A_12 = arith.constant 1 : i32
    scf.for %scan3A_21 = %scan3A_9 to %scan3A_11 step %scan3A_12  : i32 {
      %dma_start3A = arith.constant 0 : i32
      %dma_start3A_22 = tpu.memref_slice %arg7[%scan3A_21, %dma_start3A] : memref<79x128xi32, #tpu.memory_space<vmem>> -> memref<1x128xi32, #tpu.memory_space<vmem>>
      %dma_start3A_23 = tpu.memref_squeeze %dma_start3A_22 : memref<1x128xi32, #tpu.memory_space<vmem>> -> memref<128xi32, #tpu.memory_space<vmem>>
      %dma_start3A_24 = arith.constant 0 : i32
      %dma_start3A_25 = arith.constant 0 : i32
      %dma_start3A_26 = tpu.memref_slice %arg2[%dma_start3A_24, %dma_start3A_25] : memref<10000x16xf32, #tpu.memory_space<hbm>> -> memref<10000x16xf32, #tpu.memory_space<hbm>>
      tpu.enqueue_indirect_dma source(%dma_start3A_26 : memref<10000x16xf32, #tpu.memory_space<hbm>>) target(%arg9 : memref<128x16xf32, #tpu.memory_space<vmem>>) offsets(%dma_start3A_23 : memref<128xi32, #tpu.memory_space<vmem>>) semaphore(%arg11 : memref<!tpu.dma_semaphore, #tpu.memory_space<semaphore_mem>>)
      %dma_wait3A = arith.constant 0 : i32
      %dma_wait3A_27 = tpu.memref_slice %arg7[%scan3A_21, %dma_wait3A] : memref<79x128xi32, #tpu.memory_space<vmem>> -> memref<1x128xi32, #tpu.memory_space<vmem>>
      %dma_wait3A_28 = tpu.memref_squeeze %dma_wait3A_27 : memref<1x128xi32, #tpu.memory_space<vmem>> -> memref<128xi32, #tpu.memory_space<vmem>>
      %dma_wait3A_29 = arith.constant 0 : i32
      %dma_wait3A_30 = arith.constant 0 : i32
      %dma_wait3A_31 = tpu.memref_slice %arg2[%dma_wait3A_29, %dma_wait3A_30] : memref<10000x16xf32, #tpu.memory_space<hbm>> -> memref<10000x16xf32, #tpu.memory_space<hbm>>
      tpu.wait_indirect_dma semaphore(%arg11 : memref<!tpu.dma_semaphore, #tpu.memory_space<semaphore_mem>>) src(%dma_wait3A_31 : memref<10000x16xf32, #tpu.memory_space<hbm>>) dst(%arg9 : memref<128x16xf32, #tpu.memory_space<vmem>>)
      "tpu.region"() ({
        %run_scoped3A = tpu.sem_alloc : memref<!tpu.dma_semaphore, #tpu.memory_space<semaphore_mem>>
        %dma_start3A_32 = arith.constant 0 : i32
        %dma_start3A_33 = tpu.memref_slice %arg8[%scan3A_21, %dma_start3A_32] : memref<79x128xi32, #tpu.memory_space<vmem>> -> memref<1x128xi32, #tpu.memory_space<vmem>>
        %dma_start3A_34 = tpu.memref_squeeze %dma_start3A_33 : memref<1x128xi32, #tpu.memory_space<vmem>> -> memref<128xi32, #tpu.memory_space<vmem>>
        %dma_start3A_35 = arith.constant 0 : i32
        %dma_start3A_36 = arith.constant 0 : i32
        %dma_start3A_37 = tpu.memref_slice %arg10[%dma_start3A_35, %dma_start3A_36] : memref<10240x16xf32, #tpu.memory_space<vmem_shared>> -> memref<10240x16xf32, #tpu.memory_space<vmem_shared>>
        tpu.enqueue_indirect_dma source(%arg9 : memref<128x16xf32, #tpu.memory_space<vmem>>) target(%dma_start3A_37 : memref<10240x16xf32, #tpu.memory_space<vmem_shared>>) offsets(%dma_start3A_34 : memref<128xi32, #tpu.memory_space<vmem>>) semaphore(%run_scoped3A : memref<!tpu.dma_semaphore, #tpu.memory_space<semaphore_mem>>) {add = true}
        %dma_wait3A_38 = arith.constant 0 : i32
        %dma_wait3A_39 = tpu.memref_slice %arg8[%scan3A_21, %dma_wait3A_38] : memref<79x128xi32, #tpu.memory_space<vmem>> -> memref<1x128xi32, #tpu.memory_space<vmem>>
        %dma_wait3A_40 = tpu.memref_squeeze %dma_wait3A_39 : memref<1x128xi32, #tpu.memory_space<vmem>> -> memref<128xi32, #tpu.memory_space<vmem>>
        %dma_wait3A_41 = arith.constant 0 : i32
        %dma_wait3A_42 = arith.constant 0 : i32
        %dma_wait3A_43 = tpu.memref_slice %arg10[%dma_wait3A_41, %dma_wait3A_42] : memref<10240x16xf32, #tpu.memory_space<vmem_shared>> -> memref<10240x16xf32, #tpu.memory_space<vmem_shared>>
        tpu.wait_indirect_dma semaphore(%run_scoped3A : memref<!tpu.dma_semaphore, #tpu.memory_space<semaphore_mem>>) src(%arg9 : memref<128x16xf32, #tpu.memory_space<vmem>>) dst(%dma_wait3A_43 : memref<10240x16xf32, #tpu.memory_space<vmem_shared>>)
        tpu.yield
      }) : () -> ()
    }
    %scan3A_13 = arith.constant 79 : i32
    %barrier3A_14 = arith.constant 0 : index
    tpu.barrier barrier_id(%barrier3A_14)
    %scan3A_15 = arith.constant 0 : i32
    %scan3A_16 = arith.constant 0 : i32
    %scan3A_17 = arith.constant 5 : i32
    %scan3A_18 = arith.addi %scan3A_16, %scan3A_17 : i32
    %scan3A_19 = arith.constant 1 : i32
    scf.for %scan3A_21 = %scan3A_16 to %scan3A_18 step %scan3A_19  : i32 {
      %mul3A_22 = arith.constant 128 : i32
      %mul3A_23 = arith.muli %scan3A_21, %mul3A_22 : i32
      %add3A_24 = arith.addi %mul3A_2, %mul3A_23 : i32
      "tpu.region"() ({
        %run_scoped3A = tpu.sem_alloc : memref<!tpu.dma_semaphore, #tpu.memory_space<semaphore_mem>>
        %dma_start3A = arith.constant 0 : i32
        %dma_start3A_25 = tpu.memref_slice %arg10[%add3A_24, %dma_start3A] : memref<10240x16xf32, #tpu.memory_space<vmem_shared>> -> memref<128x16xf32, #tpu.memory_space<vmem_shared>>
        %dma_start3A_26 = arith.constant 0 : i32
        %dma_start3A_27 = tpu.memref_slice %arg10[%add3A_24, %dma_start3A_26] : memref<10240x16xf32, #tpu.memory_space<vmem_shared>> -> memref<128x16xf32, #tpu.memory_space<vmem_shared>>
        tpu.enqueue_dma source(%dma_start3A_27 : memref<128x16xf32, #tpu.memory_space<vmem_shared>>) target(%arg9 : memref<128x16xf32, #tpu.memory_space<vmem>>) target_semaphore(%run_scoped3A : memref<!tpu.dma_semaphore, #tpu.memory_space<semaphore_mem>>)
        %dma_wait3A = arith.constant 0 : i32
        %dma_wait3A_28 = tpu.memref_slice %arg10[%add3A_24, %dma_wait3A] : memref<10240x16xf32, #tpu.memory_space<vmem_shared>> -> memref<128x16xf32, #tpu.memory_space<vmem_shared>>
        %dma_wait3A_29 = arith.constant 0 : i32
        %dma_wait3A_30 = tpu.memref_slice %arg10[%add3A_24, %dma_wait3A_29] : memref<10240x16xf32, #tpu.memory_space<vmem_shared>> -> memref<128x16xf32, #tpu.memory_space<vmem_shared>>
        tpu.wait_dma2 semaphore(%run_scoped3A : memref<!tpu.dma_semaphore, #tpu.memory_space<semaphore_mem>>) src(%dma_wait3A_30 : memref<128x16xf32, #tpu.memory_space<vmem_shared>>) dst(%arg9 : memref<128x16xf32, #tpu.memory_space<vmem>>)
        tpu.yield
      }) : () -> ()
      "tpu.region"() ({
        %run_scoped3A = tpu.sem_alloc : memref<!tpu.dma_semaphore, #tpu.memory_space<semaphore_mem>>
        %dma_start3A = arith.constant 0 : i32
        %dma_start3A_25 = tpu.memref_slice %arg6[%arg0, %add3A_24, %dma_start3A] : memref<2x10240x16xf32, #tpu.memory_space<hbm>> -> memref<1x128x16xf32, #tpu.memory_space<hbm>>
        %dma_start3A_26 = tpu.memref_squeeze %dma_start3A_25 : memref<1x128x16xf32, #tpu.memory_space<hbm>> -> memref<128x16xf32, #tpu.memory_space<hbm>>
        %dma_start3A_27 = arith.constant 0 : i32
        %dma_start3A_28 = tpu.memref_slice %arg6[%arg0, %add3A_24, %dma_start3A_27] : memref<2x10240x16xf32, #tpu.memory_space<hbm>> -> memref<1x128x16xf32, #tpu.memory_space<hbm>>
        %dma_start3A_29 = tpu.memref_squeeze %dma_start3A_28 : memref<1x128x16xf32, #tpu.memory_space<hbm>> -> memref<128x16xf32, #tpu.memory_space<hbm>>
        tpu.enqueue_dma source(%arg9 : memref<128x16xf32, #tpu.memory_space<vmem>>) target(%dma_start3A_29 : memref<128x16xf32, #tpu.memory_space<hbm>>) target_semaphore(%run_scoped3A : memref<!tpu.dma_semaphore, #tpu.memory_space<semaphore_mem>>)
        %dma_wait3A = arith.constant 0 : i32
        %dma_wait3A_30 = tpu.memref_slice %arg6[%arg0, %add3A_24, %dma_wait3A] : memref<2x10240x16xf32, #tpu.memory_space<hbm>> -> memref<1x128x16xf32, #tpu.memory_space<hbm>>
        %dma_wait3A_31 = tpu.memref_squeeze %dma_wait3A_30 : memref<1x128x16xf32, #tpu.memory_space<hbm>> -> memref<128x16xf32, #tpu.memory_space<hbm>>
        %dma_wait3A_32 = arith.constant 0 : i32
        %dma_wait3A_33 = tpu.memref_slice %arg6[%arg0, %add3A_24, %dma_wait3A_32] : memref<2x10240x16xf32, #tpu.memory_space<hbm>> -> memref<1x128x16xf32, #tpu.memory_space<hbm>>
        %dma_wait3A_34 = tpu.memref_squeeze %dma_wait3A_33 : memref<1x128x16xf32, #tpu.memory_space<hbm>> -> memref<128x16xf32, #tpu.memory_space<hbm>>
        tpu.wait_dma2 semaphore(%run_scoped3A : memref<!tpu.dma_semaphore, #tpu.memory_space<semaphore_mem>>) src(%arg9 : memref<128x16xf32, #tpu.memory_space<vmem>>) dst(%dma_wait3A_34 : memref<128x16xf32, #tpu.memory_space<hbm>>)
        tpu.yield
      }) : () -> ()
    }
    %scan3A_20 = arith.constant 5 : i32
    return
  }
}

#map = affine_map<(d0, d1) -> (0, 0, 0)>
#map1 = affine_map<(d0, d1) -> (0, 0)>
module attributes {stable_mosaic.version = 14 : i64} {
  func.func @body(%arg0: i32, %arg1: i32, %arg2: memref<32x79x128xi32, #tpu.memory_space<hbm>>, %arg3: memref<128x16xf32, #tpu.memory_space<hbm>>, %arg4: memref<128x16xf32, #tpu.memory_space<hbm>>, %arg5: memref<2x10240x16xf32, #tpu.memory_space<hbm>>, %arg6: memref<79x128xi32, #tpu.memory_space<vmem>>, %arg7: memref<128x16xf32, #tpu.memory_space<vmem>>, %arg8: memref<128x16xf32, #tpu.memory_space<vmem>>, %arg9: memref<10240x16xf32, #tpu.memory_space<vmem_shared>>, %arg10: memref<!tpu.dma_semaphore, #tpu.memory_space<semaphore_mem>>) attributes {dimension_semantics = [#tpu.dimension_semantics<core_parallel>, #tpu.dimension_semantics<subcore_parallel>], iteration_bounds = array<i64: 2, 16>, scalar_prefetch = 0 : i64, scratch_operands = 5 : i64, tpu.core_type = #tpu.core_type<sc_vector_subcore>, window_params = [{transform_indices = #map}, {transform_indices = #map1}, {transform_indices = #map1}, {transform_indices = #map}]} {
    %mul3A = arith.constant 16 : i32
    %mul3A_0 = arith.muli %arg0, %mul3A : i32
    %add3A = arith.addi %mul3A_0, %arg1 : i32
    %mul3A_1 = arith.constant 640 : i32
    %mul3A_2 = arith.muli %arg1, %mul3A_1 : i32
    "tpu.region"() ({
      %run_scoped3A = tpu.sem_alloc : memref<!tpu.dma_semaphore, #tpu.memory_space<semaphore_mem>>
      tpu.enqueue_dma source(%arg3 : memref<128x16xf32, #tpu.memory_space<hbm>>) target(%arg7 : memref<128x16xf32, #tpu.memory_space<vmem>>) target_semaphore(%run_scoped3A : memref<!tpu.dma_semaphore, #tpu.memory_space<semaphore_mem>>)
      tpu.wait_dma2 semaphore(%run_scoped3A : memref<!tpu.dma_semaphore, #tpu.memory_space<semaphore_mem>>) src(%arg3 : memref<128x16xf32, #tpu.memory_space<hbm>>) dst(%arg7 : memref<128x16xf32, #tpu.memory_space<vmem>>)
      tpu.yield
    }) : () -> ()
    %scan3A = arith.constant 0 : i32
    %scan3A_3 = arith.constant 0 : i32
    %scan3A_4 = arith.constant 5 : i32
    %scan3A_5 = arith.addi %scan3A_3, %scan3A_4 : i32
    %scan3A_6 = arith.constant 1 : i32
    scf.for %scan3A_27 = %scan3A_3 to %scan3A_5 step %scan3A_6  : i32 {
      %mul3A_28 = arith.constant 128 : i32
      %mul3A_29 = arith.muli %scan3A_27, %mul3A_28 : i32
      %add3A_30 = arith.addi %mul3A_2, %mul3A_29 : i32
      "tpu.region"() ({
        %run_scoped3A = tpu.sem_alloc : memref<!tpu.dma_semaphore, #tpu.memory_space<semaphore_mem>>
        %dma_start3A = arith.constant 0 : i32
        %dma_start3A_31 = tpu.memref_slice %arg9[%add3A_30, %dma_start3A] : memref<10240x16xf32, #tpu.memory_space<vmem_shared>> -> memref<128x16xf32, #tpu.memory_space<vmem_shared>>
        %dma_start3A_32 = arith.constant 0 : i32
        %dma_start3A_33 = tpu.memref_slice %arg9[%add3A_30, %dma_start3A_32] : memref<10240x16xf32, #tpu.memory_space<vmem_shared>> -> memref<128x16xf32, #tpu.memory_space<vmem_shared>>
        tpu.enqueue_dma source(%arg7 : memref<128x16xf32, #tpu.memory_space<vmem>>) target(%dma_start3A_33 : memref<128x16xf32, #tpu.memory_space<vmem_shared>>) target_semaphore(%run_scoped3A : memref<!tpu.dma_semaphore, #tpu.memory_space<semaphore_mem>>)
        %dma_wait3A = arith.constant 0 : i32
        %dma_wait3A_34 = tpu.memref_slice %arg9[%add3A_30, %dma_wait3A] : memref<10240x16xf32, #tpu.memory_space<vmem_shared>> -> memref<128x16xf32, #tpu.memory_space<vmem_shared>>
        %dma_wait3A_35 = arith.constant 0 : i32
        %dma_wait3A_36 = tpu.memref_slice %arg9[%add3A_30, %dma_wait3A_35] : memref<10240x16xf32, #tpu.memory_space<vmem_shared>> -> memref<128x16xf32, #tpu.memory_space<vmem_shared>>
        tpu.wait_dma2 semaphore(%run_scoped3A : memref<!tpu.dma_semaphore, #tpu.memory_space<semaphore_mem>>) src(%arg7 : memref<128x16xf32, #tpu.memory_space<vmem>>) dst(%dma_wait3A_36 : memref<128x16xf32, #tpu.memory_space<vmem_shared>>)
        tpu.yield
      }) : () -> ()
    }
    %scan3A_7 = arith.constant 5 : i32
    "tpu.region"() ({
      %run_scoped3A = tpu.sem_alloc : memref<!tpu.dma_semaphore, #tpu.memory_space<semaphore_mem>>
      tpu.enqueue_dma source(%arg4 : memref<128x16xf32, #tpu.memory_space<hbm>>) target(%arg8 : memref<128x16xf32, #tpu.memory_space<vmem>>) target_semaphore(%run_scoped3A : memref<!tpu.dma_semaphore, #tpu.memory_space<semaphore_mem>>)
      tpu.wait_dma2 semaphore(%run_scoped3A : memref<!tpu.dma_semaphore, #tpu.memory_space<semaphore_mem>>) src(%arg4 : memref<128x16xf32, #tpu.memory_space<hbm>>) dst(%arg8 : memref<128x16xf32, #tpu.memory_space<vmem>>)
      tpu.yield
    }) : () -> ()
    "tpu.region"() ({
      %run_scoped3A = tpu.sem_alloc : memref<!tpu.dma_semaphore, #tpu.memory_space<semaphore_mem>>
      %dma_start3A = arith.constant 0 : i32
      %dma_start3A_27 = arith.constant 0 : i32
      %dma_start3A_28 = tpu.memref_slice %arg2[%add3A, %dma_start3A, %dma_start3A_27] : memref<32x79x128xi32, #tpu.memory_space<hbm>> -> memref<1x79x128xi32, #tpu.memory_space<hbm>>
      %dma_start3A_29 = tpu.memref_squeeze %dma_start3A_28 : memref<1x79x128xi32, #tpu.memory_space<hbm>> -> memref<79x128xi32, #tpu.memory_space<hbm>>
      %dma_start3A_30 = arith.constant 0 : i32
      %dma_start3A_31 = arith.constant 0 : i32
      %dma_start3A_32 = tpu.memref_slice %arg2[%add3A, %dma_start3A_30, %dma_start3A_31] : memref<32x79x128xi32, #tpu.memory_space<hbm>> -> memref<1x79x128xi32, #tpu.memory_space<hbm>>
      %dma_start3A_33 = tpu.memref_squeeze %dma_start3A_32 : memref<1x79x128xi32, #tpu.memory_space<hbm>> -> memref<79x128xi32, #tpu.memory_space<hbm>>
      tpu.enqueue_dma source(%dma_start3A_33 : memref<79x128xi32, #tpu.memory_space<hbm>>) target(%arg6 : memref<79x128xi32, #tpu.memory_space<vmem>>) target_semaphore(%run_scoped3A : memref<!tpu.dma_semaphore, #tpu.memory_space<semaphore_mem>>)
      %dma_wait3A = arith.constant 0 : i32
      %dma_wait3A_34 = arith.constant 0 : i32
      %dma_wait3A_35 = tpu.memref_slice %arg2[%add3A, %dma_wait3A, %dma_wait3A_34] : memref<32x79x128xi32, #tpu.memory_space<hbm>> -> memref<1x79x128xi32, #tpu.memory_space<hbm>>
      %dma_wait3A_36 = tpu.memref_squeeze %dma_wait3A_35 : memref<1x79x128xi32, #tpu.memory_space<hbm>> -> memref<79x128xi32, #tpu.memory_space<hbm>>
      %dma_wait3A_37 = arith.constant 0 : i32
      %dma_wait3A_38 = arith.constant 0 : i32
      %dma_wait3A_39 = tpu.memref_slice %arg2[%add3A, %dma_wait3A_37, %dma_wait3A_38] : memref<32x79x128xi32, #tpu.memory_space<hbm>> -> memref<1x79x128xi32, #tpu.memory_space<hbm>>
      %dma_wait3A_40 = tpu.memref_squeeze %dma_wait3A_39 : memref<1x79x128xi32, #tpu.memory_space<hbm>> -> memref<79x128xi32, #tpu.memory_space<hbm>>
      tpu.wait_dma2 semaphore(%run_scoped3A : memref<!tpu.dma_semaphore, #tpu.memory_space<semaphore_mem>>) src(%dma_wait3A_40 : memref<79x128xi32, #tpu.memory_space<hbm>>) dst(%arg6 : memref<79x128xi32, #tpu.memory_space<vmem>>)
      tpu.yield
    }) : () -> ()
    %barrier3A = arith.constant 0 : index
    tpu.barrier barrier_id(%barrier3A)
    %scan3A_8 = arith.constant 0 : i32
    %scan3A_9 = arith.constant 0 : i32
    %scan3A_10 = arith.constant 79 : i32
    %scan3A_11 = arith.addi %scan3A_9, %scan3A_10 : i32
    %scan3A_12 = arith.constant 1 : i32
    scf.for %scan3A_27 = %scan3A_9 to %scan3A_11 step %scan3A_12  : i32 {
      %dma_start3A = arith.constant 0 : i32
      %dma_start3A_28 = tpu.memref_slice %arg6[%scan3A_27, %dma_start3A] : memref<79x128xi32, #tpu.memory_space<vmem>> -> memref<1x128xi32, #tpu.memory_space<vmem>>
      %dma_start3A_29 = tpu.memref_squeeze %dma_start3A_28 : memref<1x128xi32, #tpu.memory_space<vmem>> -> memref<128xi32, #tpu.memory_space<vmem>>
      %dma_start3A_30 = arith.constant 0 : i32
      %dma_start3A_31 = arith.constant 0 : i32
      %dma_start3A_32 = tpu.memref_slice %arg9[%dma_start3A_30, %dma_start3A_31] : memref<10240x16xf32, #tpu.memory_space<vmem_shared>> -> memref<10240x16xf32, #tpu.memory_space<vmem_shared>>
      tpu.enqueue_indirect_dma source(%arg8 : memref<128x16xf32, #tpu.memory_space<vmem>>) target(%dma_start3A_32 : memref<10240x16xf32, #tpu.memory_space<vmem_shared>>) offsets(%dma_start3A_29 : memref<128xi32, #tpu.memory_space<vmem>>) semaphore(%arg10 : memref<!tpu.dma_semaphore, #tpu.memory_space<semaphore_mem>>) {add = true}
    }
    %scan3A_13 = arith.constant 79 : i32
    %scan3A_14 = arith.constant 0 : i32
    %scan3A_15 = arith.constant 0 : i32
    %scan3A_16 = arith.constant 79 : i32
    %scan3A_17 = arith.addi %scan3A_15, %scan3A_16 : i32
    %scan3A_18 = arith.constant 1 : i32
    scf.for %scan3A_27 = %scan3A_15 to %scan3A_17 step %scan3A_18  : i32 {
      %dma_wait3A = arith.constant 0 : i32
      %dma_wait3A_28 = tpu.memref_slice %arg6[%scan3A_27, %dma_wait3A] : memref<79x128xi32, #tpu.memory_space<vmem>> -> memref<1x128xi32, #tpu.memory_space<vmem>>
      %dma_wait3A_29 = tpu.memref_squeeze %dma_wait3A_28 : memref<1x128xi32, #tpu.memory_space<vmem>> -> memref<128xi32, #tpu.memory_space<vmem>>
      %dma_wait3A_30 = arith.constant 0 : i32
      %dma_wait3A_31 = arith.constant 0 : i32
      %dma_wait3A_32 = tpu.memref_slice %arg9[%dma_wait3A_30, %dma_wait3A_31] : memref<10240x16xf32, #tpu.memory_space<vmem_shared>> -> memref<10240x16xf32, #tpu.memory_space<vmem_shared>>
      tpu.wait_indirect_dma semaphore(%arg10 : memref<!tpu.dma_semaphore, #tpu.memory_space<semaphore_mem>>) src(%arg8 : memref<128x16xf32, #tpu.memory_space<vmem>>) dst(%dma_wait3A_32 : memref<10240x16xf32, #tpu.memory_space<vmem_shared>>)
    }
    %scan3A_19 = arith.constant 79 : i32
    %barrier3A_20 = arith.constant 0 : index
    tpu.barrier barrier_id(%barrier3A_20)
    %scan3A_21 = arith.constant 0 : i32
    %scan3A_22 = arith.constant 0 : i32
    %scan3A_23 = arith.constant 5 : i32
    %scan3A_24 = arith.addi %scan3A_22, %scan3A_23 : i32
    %scan3A_25 = arith.constant 1 : i32
    scf.for %scan3A_27 = %scan3A_22 to %scan3A_24 step %scan3A_25  : i32 {
      %mul3A_28 = arith.constant 128 : i32
      %mul3A_29 = arith.muli %scan3A_27, %mul3A_28 : i32
      %add3A_30 = arith.addi %mul3A_2, %mul3A_29 : i32
      "tpu.region"() ({
        %run_scoped3A = tpu.sem_alloc : memref<!tpu.dma_semaphore, #tpu.memory_space<semaphore_mem>>
        %dma_start3A = arith.constant 0 : i32
        %dma_start3A_31 = tpu.memref_slice %arg9[%add3A_30, %dma_start3A] : memref<10240x16xf32, #tpu.memory_space<vmem_shared>> -> memref<128x16xf32, #tpu.memory_space<vmem_shared>>
        %dma_start3A_32 = arith.constant 0 : i32
        %dma_start3A_33 = tpu.memref_slice %arg9[%add3A_30, %dma_start3A_32] : memref<10240x16xf32, #tpu.memory_space<vmem_shared>> -> memref<128x16xf32, #tpu.memory_space<vmem_shared>>
        tpu.enqueue_dma source(%dma_start3A_33 : memref<128x16xf32, #tpu.memory_space<vmem_shared>>) target(%arg7 : memref<128x16xf32, #tpu.memory_space<vmem>>) target_semaphore(%run_scoped3A : memref<!tpu.dma_semaphore, #tpu.memory_space<semaphore_mem>>)
        %dma_wait3A = arith.constant 0 : i32
        %dma_wait3A_34 = tpu.memref_slice %arg9[%add3A_30, %dma_wait3A] : memref<10240x16xf32, #tpu.memory_space<vmem_shared>> -> memref<128x16xf32, #tpu.memory_space<vmem_shared>>
        %dma_wait3A_35 = arith.constant 0 : i32
        %dma_wait3A_36 = tpu.memref_slice %arg9[%add3A_30, %dma_wait3A_35] : memref<10240x16xf32, #tpu.memory_space<vmem_shared>> -> memref<128x16xf32, #tpu.memory_space<vmem_shared>>
        tpu.wait_dma2 semaphore(%run_scoped3A : memref<!tpu.dma_semaphore, #tpu.memory_space<semaphore_mem>>) src(%dma_wait3A_36 : memref<128x16xf32, #tpu.memory_space<vmem_shared>>) dst(%arg7 : memref<128x16xf32, #tpu.memory_space<vmem>>)
        tpu.yield
      }) : () -> ()
      "tpu.region"() ({
        %run_scoped3A = tpu.sem_alloc : memref<!tpu.dma_semaphore, #tpu.memory_space<semaphore_mem>>
        %dma_start3A = arith.constant 0 : i32
        %dma_start3A_31 = tpu.memref_slice %arg5[%arg0, %add3A_30, %dma_start3A] : memref<2x10240x16xf32, #tpu.memory_space<hbm>> -> memref<1x128x16xf32, #tpu.memory_space<hbm>>
        %dma_start3A_32 = tpu.memref_squeeze %dma_start3A_31 : memref<1x128x16xf32, #tpu.memory_space<hbm>> -> memref<128x16xf32, #tpu.memory_space<hbm>>
        %dma_start3A_33 = arith.constant 0 : i32
        %dma_start3A_34 = tpu.memref_slice %arg5[%arg0, %add3A_30, %dma_start3A_33] : memref<2x10240x16xf32, #tpu.memory_space<hbm>> -> memref<1x128x16xf32, #tpu.memory_space<hbm>>
        %dma_start3A_35 = tpu.memref_squeeze %dma_start3A_34 : memref<1x128x16xf32, #tpu.memory_space<hbm>> -> memref<128x16xf32, #tpu.memory_space<hbm>>
        tpu.enqueue_dma source(%arg7 : memref<128x16xf32, #tpu.memory_space<vmem>>) target(%dma_start3A_35 : memref<128x16xf32, #tpu.memory_space<hbm>>) target_semaphore(%run_scoped3A : memref<!tpu.dma_semaphore, #tpu.memory_space<semaphore_mem>>)
        %dma_wait3A = arith.constant 0 : i32
        %dma_wait3A_36 = tpu.memref_slice %arg5[%arg0, %add3A_30, %dma_wait3A] : memref<2x10240x16xf32, #tpu.memory_space<hbm>> -> memref<1x128x16xf32, #tpu.memory_space<hbm>>
        %dma_wait3A_37 = tpu.memref_squeeze %dma_wait3A_36 : memref<1x128x16xf32, #tpu.memory_space<hbm>> -> memref<128x16xf32, #tpu.memory_space<hbm>>
        %dma_wait3A_38 = arith.constant 0 : i32
        %dma_wait3A_39 = tpu.memref_slice %arg5[%arg0, %add3A_30, %dma_wait3A_38] : memref<2x10240x16xf32, #tpu.memory_space<hbm>> -> memref<1x128x16xf32, #tpu.memory_space<hbm>>
        %dma_wait3A_40 = tpu.memref_squeeze %dma_wait3A_39 : memref<1x128x16xf32, #tpu.memory_space<hbm>> -> memref<128x16xf32, #tpu.memory_space<hbm>>
        tpu.wait_dma2 semaphore(%run_scoped3A : memref<!tpu.dma_semaphore, #tpu.memory_space<semaphore_mem>>) src(%arg7 : memref<128x16xf32, #tpu.memory_space<vmem>>) dst(%dma_wait3A_40 : memref<128x16xf32, #tpu.memory_space<hbm>>)
        tpu.yield
      }) : () -> ()
    }
    %scan3A_26 = arith.constant 5 : i32
    return
  }
}

#map = affine_map<(d0, d1) -> (0, 0)>
#map1 = affine_map<(d0, d1) -> (0, 0, 0)>
module attributes {stable_mosaic.version = 14 : i64} {
  func.func @body(%arg0: i32, %arg1: i32, %arg2: memref<10000x128xf32, #tpu.memory_space<hbm>>, %arg3: memref<32x79x128xi32, #tpu.memory_space<hbm>>, %arg4: memref<32x79x128xi32, #tpu.memory_space<hbm>>, %arg5: memref<128x128xf32, #tpu.memory_space<hbm>>, %arg6: memref<2x10240x128xf32, #tpu.memory_space<hbm>>, %arg7: memref<79x128xi32, #tpu.memory_space<vmem>>, %arg8: memref<79x128xi32, #tpu.memory_space<vmem>>, %arg9: memref<128x128xf32, #tpu.memory_space<vmem>>, %arg10: memref<10240x128xf32, #tpu.memory_space<vmem_shared>>, %arg11: memref<!tpu.dma_semaphore, #tpu.memory_space<semaphore_mem>>) attributes {dimension_semantics = [#tpu.dimension_semantics<core_parallel>, #tpu.dimension_semantics<subcore_parallel>], iteration_bounds = array<i64: 2, 16>, scalar_prefetch = 0 : i64, scratch_operands = 5 : i64, tpu.core_type = #tpu.core_type<sc_vector_subcore>, window_params = [{transform_indices = #map}, {transform_indices = #map1}, {transform_indices = #map1}, {transform_indices = #map}, {transform_indices = #map1}]} {
    %mul3A = arith.constant 16 : i32
    %mul3A_0 = arith.muli %arg0, %mul3A : i32
    %add3A = arith.addi %mul3A_0, %arg1 : i32
    %mul3A_1 = arith.constant 640 : i32
    %mul3A_2 = arith.muli %arg1, %mul3A_1 : i32
    "tpu.region"() ({
      %run_scoped3A = tpu.sem_alloc : memref<!tpu.dma_semaphore, #tpu.memory_space<semaphore_mem>>
      tpu.enqueue_dma source(%arg5 : memref<128x128xf32, #tpu.memory_space<hbm>>) target(%arg9 : memref<128x128xf32, #tpu.memory_space<vmem>>) target_semaphore(%run_scoped3A : memref<!tpu.dma_semaphore, #tpu.memory_space<semaphore_mem>>)
      tpu.wait_dma2 semaphore(%run_scoped3A : memref<!tpu.dma_semaphore, #tpu.memory_space<semaphore_mem>>) src(%arg5 : memref<128x128xf32, #tpu.memory_space<hbm>>) dst(%arg9 : memref<128x128xf32, #tpu.memory_space<vmem>>)
      tpu.yield
    }) : () -> ()
    %scan3A = arith.constant 0 : i32
    %scan3A_3 = arith.constant 0 : i32
    %scan3A_4 = arith.constant 5 : i32
    %scan3A_5 = arith.addi %scan3A_3, %scan3A_4 : i32
    %scan3A_6 = arith.constant 1 : i32
    scf.for %scan3A_21 = %scan3A_3 to %scan3A_5 step %scan3A_6  : i32 {
      %mul3A_22 = arith.constant 128 : i32
      %mul3A_23 = arith.muli %scan3A_21, %mul3A_22 : i32
      %add3A_24 = arith.addi %mul3A_2, %mul3A_23 : i32
      "tpu.region"() ({
        %run_scoped3A = tpu.sem_alloc : memref<!tpu.dma_semaphore, #tpu.memory_space<semaphore_mem>>
        %dma_start3A = arith.constant 0 : i32
        %dma_start3A_25 = tpu.memref_slice %arg10[%add3A_24, %dma_start3A] : memref<10240x128xf32, #tpu.memory_space<vmem_shared>> -> memref<128x128xf32, #tpu.memory_space<vmem_shared>>
        %dma_start3A_26 = arith.constant 0 : i32
        %dma_start3A_27 = tpu.memref_slice %arg10[%add3A_24, %dma_start3A_26] : memref<10240x128xf32, #tpu.memory_space<vmem_shared>> -> memref<128x128xf32, #tpu.memory_space<vmem_shared>>
        tpu.enqueue_dma source(%arg9 : memref<128x128xf32, #tpu.memory_space<vmem>>) target(%dma_start3A_27 : memref<128x128xf32, #tpu.memory_space<vmem_shared>>) target_semaphore(%run_scoped3A : memref<!tpu.dma_semaphore, #tpu.memory_space<semaphore_mem>>)
        %dma_wait3A = arith.constant 0 : i32
        %dma_wait3A_28 = tpu.memref_slice %arg10[%add3A_24, %dma_wait3A] : memref<10240x128xf32, #tpu.memory_space<vmem_shared>> -> memref<128x128xf32, #tpu.memory_space<vmem_shared>>
        %dma_wait3A_29 = arith.constant 0 : i32
        %dma_wait3A_30 = tpu.memref_slice %arg10[%add3A_24, %dma_wait3A_29] : memref<10240x128xf32, #tpu.memory_space<vmem_shared>> -> memref<128x128xf32, #tpu.memory_space<vmem_shared>>
        tpu.wait_dma2 semaphore(%run_scoped3A : memref<!tpu.dma_semaphore, #tpu.memory_space<semaphore_mem>>) src(%arg9 : memref<128x128xf32, #tpu.memory_space<vmem>>) dst(%dma_wait3A_30 : memref<128x128xf32, #tpu.memory_space<vmem_shared>>)
        tpu.yield
      }) : () -> ()
    }
    %scan3A_7 = arith.constant 5 : i32
    "tpu.region"() ({
      %run_scoped3A = tpu.sem_alloc : memref<!tpu.dma_semaphore, #tpu.memory_space<semaphore_mem>>
      %dma_start3A = arith.constant 0 : i32
      %dma_start3A_21 = arith.constant 0 : i32
      %dma_start3A_22 = tpu.memref_slice %arg3[%add3A, %dma_start3A, %dma_start3A_21] : memref<32x79x128xi32, #tpu.memory_space<hbm>> -> memref<1x79x128xi32, #tpu.memory_space<hbm>>
      %dma_start3A_23 = tpu.memref_squeeze %dma_start3A_22 : memref<1x79x128xi32, #tpu.memory_space<hbm>> -> memref<79x128xi32, #tpu.memory_space<hbm>>
      %dma_start3A_24 = arith.constant 0 : i32
      %dma_start3A_25 = arith.constant 0 : i32
      %dma_start3A_26 = tpu.memref_slice %arg3[%add3A, %dma_start3A_24, %dma_start3A_25] : memref<32x79x128xi32, #tpu.memory_space<hbm>> -> memref<1x79x128xi32, #tpu.memory_space<hbm>>
      %dma_start3A_27 = tpu.memref_squeeze %dma_start3A_26 : memref<1x79x128xi32, #tpu.memory_space<hbm>> -> memref<79x128xi32, #tpu.memory_space<hbm>>
      tpu.enqueue_dma source(%dma_start3A_27 : memref<79x128xi32, #tpu.memory_space<hbm>>) target(%arg7 : memref<79x128xi32, #tpu.memory_space<vmem>>) target_semaphore(%run_scoped3A : memref<!tpu.dma_semaphore, #tpu.memory_space<semaphore_mem>>)
      %dma_wait3A = arith.constant 0 : i32
      %dma_wait3A_28 = arith.constant 0 : i32
      %dma_wait3A_29 = tpu.memref_slice %arg3[%add3A, %dma_wait3A, %dma_wait3A_28] : memref<32x79x128xi32, #tpu.memory_space<hbm>> -> memref<1x79x128xi32, #tpu.memory_space<hbm>>
      %dma_wait3A_30 = tpu.memref_squeeze %dma_wait3A_29 : memref<1x79x128xi32, #tpu.memory_space<hbm>> -> memref<79x128xi32, #tpu.memory_space<hbm>>
      %dma_wait3A_31 = arith.constant 0 : i32
      %dma_wait3A_32 = arith.constant 0 : i32
      %dma_wait3A_33 = tpu.memref_slice %arg3[%add3A, %dma_wait3A_31, %dma_wait3A_32] : memref<32x79x128xi32, #tpu.memory_space<hbm>> -> memref<1x79x128xi32, #tpu.memory_space<hbm>>
      %dma_wait3A_34 = tpu.memref_squeeze %dma_wait3A_33 : memref<1x79x128xi32, #tpu.memory_space<hbm>> -> memref<79x128xi32, #tpu.memory_space<hbm>>
      tpu.wait_dma2 semaphore(%run_scoped3A : memref<!tpu.dma_semaphore, #tpu.memory_space<semaphore_mem>>) src(%dma_wait3A_34 : memref<79x128xi32, #tpu.memory_space<hbm>>) dst(%arg7 : memref<79x128xi32, #tpu.memory_space<vmem>>)
      tpu.yield
    }) : () -> ()
    "tpu.region"() ({
      %run_scoped3A = tpu.sem_alloc : memref<!tpu.dma_semaphore, #tpu.memory_space<semaphore_mem>>
      %dma_start3A = arith.constant 0 : i32
      %dma_start3A_21 = arith.constant 0 : i32
      %dma_start3A_22 = tpu.memref_slice %arg4[%add3A, %dma_start3A, %dma_start3A_21] : memref<32x79x128xi32, #tpu.memory_space<hbm>> -> memref<1x79x128xi32, #tpu.memory_space<hbm>>
      %dma_start3A_23 = tpu.memref_squeeze %dma_start3A_22 : memref<1x79x128xi32, #tpu.memory_space<hbm>> -> memref<79x128xi32, #tpu.memory_space<hbm>>
      %dma_start3A_24 = arith.constant 0 : i32
      %dma_start3A_25 = arith.constant 0 : i32
      %dma_start3A_26 = tpu.memref_slice %arg4[%add3A, %dma_start3A_24, %dma_start3A_25] : memref<32x79x128xi32, #tpu.memory_space<hbm>> -> memref<1x79x128xi32, #tpu.memory_space<hbm>>
      %dma_start3A_27 = tpu.memref_squeeze %dma_start3A_26 : memref<1x79x128xi32, #tpu.memory_space<hbm>> -> memref<79x128xi32, #tpu.memory_space<hbm>>
      tpu.enqueue_dma source(%dma_start3A_27 : memref<79x128xi32, #tpu.memory_space<hbm>>) target(%arg8 : memref<79x128xi32, #tpu.memory_space<vmem>>) target_semaphore(%run_scoped3A : memref<!tpu.dma_semaphore, #tpu.memory_space<semaphore_mem>>)
      %dma_wait3A = arith.constant 0 : i32
      %dma_wait3A_28 = arith.constant 0 : i32
      %dma_wait3A_29 = tpu.memref_slice %arg4[%add3A, %dma_wait3A, %dma_wait3A_28] : memref<32x79x128xi32, #tpu.memory_space<hbm>> -> memref<1x79x128xi32, #tpu.memory_space<hbm>>
      %dma_wait3A_30 = tpu.memref_squeeze %dma_wait3A_29 : memref<1x79x128xi32, #tpu.memory_space<hbm>> -> memref<79x128xi32, #tpu.memory_space<hbm>>
      %dma_wait3A_31 = arith.constant 0 : i32
      %dma_wait3A_32 = arith.constant 0 : i32
      %dma_wait3A_33 = tpu.memref_slice %arg4[%add3A, %dma_wait3A_31, %dma_wait3A_32] : memref<32x79x128xi32, #tpu.memory_space<hbm>> -> memref<1x79x128xi32, #tpu.memory_space<hbm>>
      %dma_wait3A_34 = tpu.memref_squeeze %dma_wait3A_33 : memref<1x79x128xi32, #tpu.memory_space<hbm>> -> memref<79x128xi32, #tpu.memory_space<hbm>>
      tpu.wait_dma2 semaphore(%run_scoped3A : memref<!tpu.dma_semaphore, #tpu.memory_space<semaphore_mem>>) src(%dma_wait3A_34 : memref<79x128xi32, #tpu.memory_space<hbm>>) dst(%arg8 : memref<79x128xi32, #tpu.memory_space<vmem>>)
      tpu.yield
    }) : () -> ()
    %barrier3A = arith.constant 0 : index
    tpu.barrier barrier_id(%barrier3A)
    %scan3A_8 = arith.constant 0 : i32
    %scan3A_9 = arith.constant 0 : i32
    %scan3A_10 = arith.constant 79 : i32
    %scan3A_11 = arith.addi %scan3A_9, %scan3A_10 : i32
    %scan3A_12 = arith.constant 1 : i32
    scf.for %scan3A_21 = %scan3A_9 to %scan3A_11 step %scan3A_12  : i32 {
      %dma_start3A = arith.constant 0 : i32
      %dma_start3A_22 = tpu.memref_slice %arg7[%scan3A_21, %dma_start3A] : memref<79x128xi32, #tpu.memory_space<vmem>> -> memref<1x128xi32, #tpu.memory_space<vmem>>
      %dma_start3A_23 = tpu.memref_squeeze %dma_start3A_22 : memref<1x128xi32, #tpu.memory_space<vmem>> -> memref<128xi32, #tpu.memory_space<vmem>>
      %dma_start3A_24 = arith.constant 0 : i32
      %dma_start3A_25 = arith.constant 0 : i32
      %dma_start3A_26 = tpu.memref_slice %arg2[%dma_start3A_24, %dma_start3A_25] : memref<10000x128xf32, #tpu.memory_space<hbm>> -> memref<10000x128xf32, #tpu.memory_space<hbm>>
      tpu.enqueue_indirect_dma source(%dma_start3A_26 : memref<10000x128xf32, #tpu.memory_space<hbm>>) target(%arg9 : memref<128x128xf32, #tpu.memory_space<vmem>>) offsets(%dma_start3A_23 : memref<128xi32, #tpu.memory_space<vmem>>) semaphore(%arg11 : memref<!tpu.dma_semaphore, #tpu.memory_space<semaphore_mem>>)
      %dma_wait3A = arith.constant 0 : i32
      %dma_wait3A_27 = tpu.memref_slice %arg7[%scan3A_21, %dma_wait3A] : memref<79x128xi32, #tpu.memory_space<vmem>> -> memref<1x128xi32, #tpu.memory_space<vmem>>
      %dma_wait3A_28 = tpu.memref_squeeze %dma_wait3A_27 : memref<1x128xi32, #tpu.memory_space<vmem>> -> memref<128xi32, #tpu.memory_space<vmem>>
      %dma_wait3A_29 = arith.constant 0 : i32
      %dma_wait3A_30 = arith.constant 0 : i32
      %dma_wait3A_31 = tpu.memref_slice %arg2[%dma_wait3A_29, %dma_wait3A_30] : memref<10000x128xf32, #tpu.memory_space<hbm>> -> memref<10000x128xf32, #tpu.memory_space<hbm>>
      tpu.wait_indirect_dma semaphore(%arg11 : memref<!tpu.dma_semaphore, #tpu.memory_space<semaphore_mem>>) src(%dma_wait3A_31 : memref<10000x128xf32, #tpu.memory_space<hbm>>) dst(%arg9 : memref<128x128xf32, #tpu.memory_space<vmem>>)
      "tpu.region"() ({
        %run_scoped3A = tpu.sem_alloc : memref<!tpu.dma_semaphore, #tpu.memory_space<semaphore_mem>>
        %dma_start3A_32 = arith.constant 0 : i32
        %dma_start3A_33 = tpu.memref_slice %arg8[%scan3A_21, %dma_start3A_32] : memref<79x128xi32, #tpu.memory_space<vmem>> -> memref<1x128xi32, #tpu.memory_space<vmem>>
        %dma_start3A_34 = tpu.memref_squeeze %dma_start3A_33 : memref<1x128xi32, #tpu.memory_space<vmem>> -> memref<128xi32, #tpu.memory_space<vmem>>
        %dma_start3A_35 = arith.constant 0 : i32
        %dma_start3A_36 = arith.constant 0 : i32
        %dma_start3A_37 = tpu.memref_slice %arg10[%dma_start3A_35, %dma_start3A_36] : memref<10240x128xf32, #tpu.memory_space<vmem_shared>> -> memref<10240x128xf32, #tpu.memory_space<vmem_shared>>
        tpu.enqueue_indirect_dma source(%arg9 : memref<128x128xf32, #tpu.memory_space<vmem>>) target(%dma_start3A_37 : memref<10240x128xf32, #tpu.memory_space<vmem_shared>>) offsets(%dma_start3A_34 : memref<128xi32, #tpu.memory_space<vmem>>) semaphore(%run_scoped3A : memref<!tpu.dma_semaphore, #tpu.memory_space<semaphore_mem>>) {add = true}
        %dma_wait3A_38 = arith.constant 0 : i32
        %dma_wait3A_39 = tpu.memref_slice %arg8[%scan3A_21, %dma_wait3A_38] : memref<79x128xi32, #tpu.memory_space<vmem>> -> memref<1x128xi32, #tpu.memory_space<vmem>>
        %dma_wait3A_40 = tpu.memref_squeeze %dma_wait3A_39 : memref<1x128xi32, #tpu.memory_space<vmem>> -> memref<128xi32, #tpu.memory_space<vmem>>
        %dma_wait3A_41 = arith.constant 0 : i32
        %dma_wait3A_42 = arith.constant 0 : i32
        %dma_wait3A_43 = tpu.memref_slice %arg10[%dma_wait3A_41, %dma_wait3A_42] : memref<10240x128xf32, #tpu.memory_space<vmem_shared>> -> memref<10240x128xf32, #tpu.memory_space<vmem_shared>>
        tpu.wait_indirect_dma semaphore(%run_scoped3A : memref<!tpu.dma_semaphore, #tpu.memory_space<semaphore_mem>>) src(%arg9 : memref<128x128xf32, #tpu.memory_space<vmem>>) dst(%dma_wait3A_43 : memref<10240x128xf32, #tpu.memory_space<vmem_shared>>)
        tpu.yield
      }) : () -> ()
    }
    %scan3A_13 = arith.constant 79 : i32
    %barrier3A_14 = arith.constant 0 : index
    tpu.barrier barrier_id(%barrier3A_14)
    %scan3A_15 = arith.constant 0 : i32
    %scan3A_16 = arith.constant 0 : i32
    %scan3A_17 = arith.constant 5 : i32
    %scan3A_18 = arith.addi %scan3A_16, %scan3A_17 : i32
    %scan3A_19 = arith.constant 1 : i32
    scf.for %scan3A_21 = %scan3A_16 to %scan3A_18 step %scan3A_19  : i32 {
      %mul3A_22 = arith.constant 128 : i32
      %mul3A_23 = arith.muli %scan3A_21, %mul3A_22 : i32
      %add3A_24 = arith.addi %mul3A_2, %mul3A_23 : i32
      "tpu.region"() ({
        %run_scoped3A = tpu.sem_alloc : memref<!tpu.dma_semaphore, #tpu.memory_space<semaphore_mem>>
        %dma_start3A = arith.constant 0 : i32
        %dma_start3A_25 = tpu.memref_slice %arg10[%add3A_24, %dma_start3A] : memref<10240x128xf32, #tpu.memory_space<vmem_shared>> -> memref<128x128xf32, #tpu.memory_space<vmem_shared>>
        %dma_start3A_26 = arith.constant 0 : i32
        %dma_start3A_27 = tpu.memref_slice %arg10[%add3A_24, %dma_start3A_26] : memref<10240x128xf32, #tpu.memory_space<vmem_shared>> -> memref<128x128xf32, #tpu.memory_space<vmem_shared>>
        tpu.enqueue_dma source(%dma_start3A_27 : memref<128x128xf32, #tpu.memory_space<vmem_shared>>) target(%arg9 : memref<128x128xf32, #tpu.memory_space<vmem>>) target_semaphore(%run_scoped3A : memref<!tpu.dma_semaphore, #tpu.memory_space<semaphore_mem>>)
        %dma_wait3A = arith.constant 0 : i32
        %dma_wait3A_28 = tpu.memref_slice %arg10[%add3A_24, %dma_wait3A] : memref<10240x128xf32, #tpu.memory_space<vmem_shared>> -> memref<128x128xf32, #tpu.memory_space<vmem_shared>>
        %dma_wait3A_29 = arith.constant 0 : i32
        %dma_wait3A_30 = tpu.memref_slice %arg10[%add3A_24, %dma_wait3A_29] : memref<10240x128xf32, #tpu.memory_space<vmem_shared>> -> memref<128x128xf32, #tpu.memory_space<vmem_shared>>
        tpu.wait_dma2 semaphore(%run_scoped3A : memref<!tpu.dma_semaphore, #tpu.memory_space<semaphore_mem>>) src(%dma_wait3A_30 : memref<128x128xf32, #tpu.memory_space<vmem_shared>>) dst(%arg9 : memref<128x128xf32, #tpu.memory_space<vmem>>)
        tpu.yield
      }) : () -> ()
      "tpu.region"() ({
        %run_scoped3A = tpu.sem_alloc : memref<!tpu.dma_semaphore, #tpu.memory_space<semaphore_mem>>
        %dma_start3A = arith.constant 0 : i32
        %dma_start3A_25 = tpu.memref_slice %arg6[%arg0, %add3A_24, %dma_start3A] : memref<2x10240x128xf32, #tpu.memory_space<hbm>> -> memref<1x128x128xf32, #tpu.memory_space<hbm>>
        %dma_start3A_26 = tpu.memref_squeeze %dma_start3A_25 : memref<1x128x128xf32, #tpu.memory_space<hbm>> -> memref<128x128xf32, #tpu.memory_space<hbm>>
        %dma_start3A_27 = arith.constant 0 : i32
        %dma_start3A_28 = tpu.memref_slice %arg6[%arg0, %add3A_24, %dma_start3A_27] : memref<2x10240x128xf32, #tpu.memory_space<hbm>> -> memref<1x128x128xf32, #tpu.memory_space<hbm>>
        %dma_start3A_29 = tpu.memref_squeeze %dma_start3A_28 : memref<1x128x128xf32, #tpu.memory_space<hbm>> -> memref<128x128xf32, #tpu.memory_space<hbm>>
        tpu.enqueue_dma source(%arg9 : memref<128x128xf32, #tpu.memory_space<vmem>>) target(%dma_start3A_29 : memref<128x128xf32, #tpu.memory_space<hbm>>) target_semaphore(%run_scoped3A : memref<!tpu.dma_semaphore, #tpu.memory_space<semaphore_mem>>)
        %dma_wait3A = arith.constant 0 : i32
        %dma_wait3A_30 = tpu.memref_slice %arg6[%arg0, %add3A_24, %dma_wait3A] : memref<2x10240x128xf32, #tpu.memory_space<hbm>> -> memref<1x128x128xf32, #tpu.memory_space<hbm>>
        %dma_wait3A_31 = tpu.memref_squeeze %dma_wait3A_30 : memref<1x128x128xf32, #tpu.memory_space<hbm>> -> memref<128x128xf32, #tpu.memory_space<hbm>>
        %dma_wait3A_32 = arith.constant 0 : i32
        %dma_wait3A_33 = tpu.memref_slice %arg6[%arg0, %add3A_24, %dma_wait3A_32] : memref<2x10240x128xf32, #tpu.memory_space<hbm>> -> memref<1x128x128xf32, #tpu.memory_space<hbm>>
        %dma_wait3A_34 = tpu.memref_squeeze %dma_wait3A_33 : memref<1x128x128xf32, #tpu.memory_space<hbm>> -> memref<128x128xf32, #tpu.memory_space<hbm>>
        tpu.wait_dma2 semaphore(%run_scoped3A : memref<!tpu.dma_semaphore, #tpu.memory_space<semaphore_mem>>) src(%arg9 : memref<128x128xf32, #tpu.memory_space<vmem>>) dst(%dma_wait3A_34 : memref<128x128xf32, #tpu.memory_space<hbm>>)
        tpu.yield
      }) : () -> ()
    }
    %scan3A_20 = arith.constant 5 : i32
    return
  }
}

module attributes {stable_mosaic.version = 14 : i64} {
  func.func @body(%arg0: i32, %arg1: memref<1000x128xf32, #tpu.memory_space<vmem>>, %arg2: memref<128x128xf32, #tpu.memory_space<vmem>>, %arg3: memref<2x1000x16xf32, #tpu.memory_space<vmem>>, %arg4: memref<1000x128xf32, #tpu.memory_space<vmem>>, %arg5: memref<1000x16xf32, #tpu.memory_space<vmem>>) attributes {dimension_semantics = [#tpu.dimension_semantics<arbitrary>], iteration_bounds = array<i64: 10>, scalar_prefetch = 0 : i64, scratch_operands = 0 : i64, tpu.core_type = #tpu.core_type<tc>, window_params = [{transform_indices = @transform_0, window_bounds = array<i64: 1000, 128>}, {pipeline_mode = #tpu.pipeline_mode<synchronous>, transform_indices = @transform_1, window_bounds = array<i64: 128, 128>}, {transform_indices = @transform_2, window_bounds = array<i64: 2, 1000, 16>}, {transform_indices = @transform_3, window_bounds = array<i64: 1000, 128>}, {transform_indices = @transform_4, window_bounds = array<i64: 1000, 16>}]} {
    %get3A = arith.constant 0 : index
    %get3A_0 = arith.constant 0 : index
    %get3A_1 = vector.load %arg1[%get3A, %get3A_0] : memref<1000x128xf32, #tpu.memory_space<vmem>>, vector<1000x128xf32>
    %get3A_2 = arith.constant 0 : index
    %get3A_3 = arith.constant 0 : index
    %get3A_4 = vector.load %arg2[%get3A_2, %get3A_3] : memref<128x128xf32, #tpu.memory_space<vmem>>, vector<128x128xf32>
    %dot_general3A = arith.constant dense<0.000000e+00> : vector<1000x128xf32>
    %dot_general3A_5 = tpu.matmul %get3A_1, %get3A_4, %dot_general3A {dimension_numbers = #tpu.dot_dimension_numbers<[1], [0], [0], [1], [0, 0, 1, 1], [], []>, transpose_lhs_hint = false} : vector<1000x128xf32>, vector<128x128xf32>, vector<1000x128xf32> -> vector<1000x128xf32>
    %get3A_6 = arith.constant 0 : index
    %get3A_7 = arith.constant 0 : index
    %get3A_8 = arith.constant 0 : index
    %get3A_9 = vector.load %arg3[%get3A_6, %get3A_7, %get3A_8] : memref<2x1000x16xf32, #tpu.memory_space<vmem>>, vector<1x1000x16xf32>
    %get3A_10 = vector.shape_cast %get3A_9 : vector<1x1000x16xf32> to vector<1000x16xf32>
    %slice3A = vector.extract_strided_slice %get3A_10 {offsets = [0, 0], sizes = [1000, 1], strides = [1, 1]} : vector<1000x16xf32> to vector<1000x1xf32>
    %get3A_11 = arith.constant 1 : index
    %get3A_12 = arith.constant 0 : index
    %get3A_13 = arith.constant 0 : index
    %get3A_14 = vector.load %arg3[%get3A_11, %get3A_12, %get3A_13] : memref<2x1000x16xf32, #tpu.memory_space<vmem>>, vector<1x1000x16xf32>
    %get3A_15 = vector.shape_cast %get3A_14 : vector<1x1000x16xf32> to vector<1000x16xf32>
    %slice3A_16 = vector.extract_strided_slice %get3A_15 {offsets = [0, 0], sizes = [1000, 1], strides = [1, 1]} : vector<1000x16xf32> to vector<1000x1xf32>
    %add3A = arith.addf %slice3A, %slice3A_16 : vector<1000x1xf32>
    %add3A_17 = arith.constant 1.000000e+00 : f32
    %add3A_18 = vector.broadcast %add3A_17 : f32 to vector<1000x1xf32>
    %add3A_19 = arith.addf %add3A, %add3A_18 : vector<1000x1xf32>
    %rsqrt3A = math.rsqrt %add3A_19 : vector<1000x1xf32>
    %mul3A = vector.broadcast %rsqrt3A : vector<1000x1xf32> to vector<1000x128xf32>
    %mul3A_20 = arith.mulf %dot_general3A_5, %mul3A : vector<1000x128xf32>
    %swap3A = arith.constant 0 : index
    %swap3A_21 = arith.constant 0 : index
    %swap3A_22 = vector.load %arg4[%swap3A, %swap3A_21] : memref<1000x128xf32, #tpu.memory_space<vmem>>, vector<1000x128xf32>
    tpu.vector_store %arg4[%swap3A, %swap3A_21], %mul3A_20 {strides = array<i32>} : memref<1000x128xf32, #tpu.memory_space<vmem>>, vector<1000x128xf32>,
    %broadcast_in_dim3A = vector.shape_cast %rsqrt3A : vector<1000x1xf32> to vector<1000x1xf32>
    %broadcast_in_dim3A_23 = vector.broadcast %broadcast_in_dim3A : vector<1000x1xf32> to vector<1000x16xf32>
    %swap3A_24 = arith.constant 0 : index
    %swap3A_25 = arith.constant 0 : index
    %swap3A_26 = vector.load %arg5[%swap3A_24, %swap3A_25] : memref<1000x16xf32, #tpu.memory_space<vmem>>, vector<1000x16xf32>
    tpu.vector_store %arg5[%swap3A_24, %swap3A_25], %broadcast_in_dim3A_23 {strides = array<i32>} : memref<1000x16xf32, #tpu.memory_space<vmem>>, vector<1000x16xf32>,
    return
  }
  func.func @transform_0(%arg0: i32) -> (i32, i32) {
    %c0_i32 = arith.constant 0 : i32
    %c0_i32_0 = arith.constant 0 : i32
    return %arg0, %c0_i32 : i32, i32
  }
  func.func @transform_1(%arg0: i32) -> (i32, i32) {
    %c0_i32 = arith.constant 0 : i32
    %c0_i32_0 = arith.constant 0 : i32
    %c0_i32_1 = arith.constant 0 : i32
    return %c0_i32, %c0_i32_0 : i32, i32
  }
  func.func @transform_2(%arg0: i32) -> (i32, i32, i32) {
    %c0_i32 = arith.constant 0 : i32
    %c0_i32_0 = arith.constant 0 : i32
    %c0_i32_1 = arith.constant 0 : i32
    return %c0_i32, %arg0, %c0_i32_0 : i32, i32, i32
  }
  func.func @transform_3(%arg0: i32) -> (i32, i32) {
    %c0_i32 = arith.constant 0 : i32
    %c0_i32_0 = arith.constant 0 : i32
    return %arg0, %c0_i32 : i32, i32
  }
  func.func @transform_4(%arg0: i32) -> (i32, i32) {
    %c0_i32 = arith.constant 0 : i32
    %c0_i32_0 = arith.constant 0 : i32
    return %arg0, %c0_i32 : i32, i32
  }
}

module attributes {stable_mosaic.version = 14 : i64} {
  func.func @body(%arg0: i32, %arg1: memref<2x1000x128xf32, #tpu.memory_space<vmem>>, %arg2: memref<1000x128xf32, #tpu.memory_space<vmem>>, %arg3: memref<1000x16xf32, #tpu.memory_space<vmem>>, %arg4: memref<1x128xf32, #tpu.memory_space<vmem>>, %arg5: memref<128x16xf32, #tpu.memory_space<vmem>>, %arg6: memref<1000x16xf32, #tpu.memory_space<vmem>>) attributes {dimension_semantics = [#tpu.dimension_semantics<arbitrary>], iteration_bounds = array<i64: 10>, scalar_prefetch = 0 : i64, scratch_operands = 0 : i64, tpu.core_type = #tpu.core_type<tc>, window_params = [{transform_indices = @transform_0, window_bounds = array<i64: 2, 1000, 128>}, {transform_indices = @transform_1, window_bounds = array<i64: 1000, 128>}, {transform_indices = @transform_2, window_bounds = array<i64: 1000, 16>}, {pipeline_mode = #tpu.pipeline_mode<synchronous>, transform_indices = @transform_3, window_bounds = array<i64: 1, 128>}, {pipeline_mode = #tpu.pipeline_mode<synchronous>, transform_indices = @transform_4, window_bounds = array<i64: 128, 16>}, {transform_indices = @transform_5, window_bounds = array<i64: 1000, 16>}]} {
    %get3A = arith.constant 0 : index
    %get3A_0 = arith.constant 0 : index
    %get3A_1 = arith.constant 0 : index
    %get3A_2 = vector.load %arg1[%get3A, %get3A_0, %get3A_1] : memref<2x1000x128xf32, #tpu.memory_space<vmem>>, vector<1x1000x128xf32>
    %get3A_3 = vector.shape_cast %get3A_2 : vector<1x1000x128xf32> to vector<1000x128xf32>
    %get3A_4 = arith.constant 1 : index
    %get3A_5 = arith.constant 0 : index
    %get3A_6 = arith.constant 0 : index
    %get3A_7 = vector.load %arg1[%get3A_4, %get3A_5, %get3A_6] : memref<2x1000x128xf32, #tpu.memory_space<vmem>>, vector<1x1000x128xf32>
    %get3A_8 = vector.shape_cast %get3A_7 : vector<1x1000x128xf32> to vector<1000x128xf32>
    %add3A = arith.addf %get3A_3, %get3A_8 : vector<1000x128xf32>
    %get3A_9 = arith.constant 0 : index
    %get3A_10 = arith.constant 0 : index
    %get3A_11 = vector.load %arg2[%get3A_9, %get3A_10] : memref<1000x128xf32, #tpu.memory_space<vmem>>, vector<1000x128xf32>
    %add3A_12 = arith.addf %add3A, %get3A_11 : vector<1000x128xf32>
    %get3A_13 = arith.constant 0 : index
    %get3A_14 = arith.constant 0 : index
    %get3A_15 = vector.load %arg3[%get3A_13, %get3A_14] : memref<1000x16xf32, #tpu.memory_space<vmem>>, vector<1000x1xf32>
    %mul3A = vector.broadcast %get3A_15 : vector<1000x1xf32> to vector<1000x128xf32>
    %mul3A_16 = arith.mulf %add3A_12, %mul3A : vector<1000x128xf32>
    %get3A_17 = arith.constant 0 : index
    %get3A_18 = arith.constant 0 : index
    %get3A_19 = vector.load %arg4[%get3A_17, %get3A_18] : memref<1x128xf32, #tpu.memory_space<vmem>>, vector<1x128xf32>
    %add3A_20 = vector.broadcast %get3A_19 : vector<1x128xf32> to vector<1000x128xf32>
    %add3A_21 = arith.addf %mul3A_16, %add3A_20 : vector<1000x128xf32>
    %max3A = arith.constant 0.000000e+00 : f32
    %max3A_22 = vector.broadcast %max3A : f32 to vector<1000x128xf32>
    %max3A_23 = arith.maximumf %add3A_21, %max3A_22 : vector<1000x128xf32>
    %get3A_24 = arith.constant 0 : index
    %get3A_25 = arith.constant 0 : index
    %get3A_26 = vector.load %arg5[%get3A_24, %get3A_25] : memref<128x16xf32, #tpu.memory_space<vmem>>, vector<128x16xf32>
    %dot_general3A = arith.constant dense<0.000000e+00> : vector<1000x16xf32>
    %dot_general3A_27 = tpu.matmul %max3A_23, %get3A_26, %dot_general3A {dimension_numbers = #tpu.dot_dimension_numbers<[1], [0], [0], [1], [0, 0, 1, 1], [], []>, transpose_lhs_hint = false} : vector<1000x128xf32>, vector<128x16xf32>, vector<1000x16xf32> -> vector<1000x16xf32>
    %mul3A_28 = vector.broadcast %get3A_15 : vector<1000x1xf32> to vector<1000x16xf32>
    %mul3A_29 = arith.mulf %dot_general3A_27, %mul3A_28 : vector<1000x16xf32>
    %swap3A = arith.constant 0 : index
    %swap3A_30 = arith.constant 0 : index
    %swap3A_31 = vector.load %arg6[%swap3A, %swap3A_30] : memref<1000x16xf32, #tpu.memory_space<vmem>>, vector<1000x16xf32>
    tpu.vector_store %arg6[%swap3A, %swap3A_30], %mul3A_29 {strides = array<i32>} : memref<1000x16xf32, #tpu.memory_space<vmem>>, vector<1000x16xf32>,
    return
  }
  func.func @transform_0(%arg0: i32) -> (i32, i32, i32) {
    %c0_i32 = arith.constant 0 : i32
    %c0_i32_0 = arith.constant 0 : i32
    %c0_i32_1 = arith.constant 0 : i32
    return %c0_i32, %arg0, %c0_i32_0 : i32, i32, i32
  }
  func.func @transform_1(%arg0: i32) -> (i32, i32) {
    %c0_i32 = arith.constant 0 : i32
    %c0_i32_0 = arith.constant 0 : i32
    return %arg0, %c0_i32 : i32, i32
  }
  func.func @transform_2(%arg0: i32) -> (i32, i32) {
    %c0_i32 = arith.constant 0 : i32
    %c0_i32_0 = arith.constant 0 : i32
    return %arg0, %c0_i32 : i32, i32
  }
  func.func @transform_3(%arg0: i32) -> (i32, i32) {
    %c0_i32 = arith.constant 0 : i32
    %c0_i32_0 = arith.constant 0 : i32
    %c0_i32_1 = arith.constant 0 : i32
    return %c0_i32, %c0_i32_0 : i32, i32
  }
  func.func @transform_4(%arg0: i32) -> (i32, i32) {
    %c0_i32 = arith.constant 0 : i32
    %c0_i32_0 = arith.constant 0 : i32
    %c0_i32_1 = arith.constant 0 : i32
    return %c0_i32, %c0_i32_0 : i32, i32
  }
  func.func @transform_5(%arg0: i32) -> (i32, i32) {
    %c0_i32 = arith.constant 0 : i32
    %c0_i32_0 = arith.constant 0 : i32
    return %arg0, %c0_i32 : i32, i32
  }
}

module attributes {stable_mosaic.version = 14 : i64} {
  func.func @body(%arg0: i32, %arg1: memref<2x1000x16xf32, #tpu.memory_space<vmem>>, %arg2: memref<1000x16xf32, #tpu.memory_space<vmem>>, %arg3: memref<1000x16xf32, #tpu.memory_space<vmem>>, %arg4: memref<1x16xf32, #tpu.memory_space<vmem>>, %arg5: memref<1000x16xf32, #tpu.memory_space<vmem>>) attributes {dimension_semantics = [#tpu.dimension_semantics<arbitrary>], iteration_bounds = array<i64: 10>, scalar_prefetch = 0 : i64, scratch_operands = 0 : i64, tpu.core_type = #tpu.core_type<tc>, window_params = [{transform_indices = @transform_0, window_bounds = array<i64: 2, 1000, 16>}, {transform_indices = @transform_1, window_bounds = array<i64: 1000, 16>}, {transform_indices = @transform_2, window_bounds = array<i64: 1000, 16>}, {pipeline_mode = #tpu.pipeline_mode<synchronous>, transform_indices = @transform_3, window_bounds = array<i64: 1, 16>}, {transform_indices = @transform_4, window_bounds = array<i64: 1000, 16>}]} {
    %get3A = arith.constant 0 : index
    %get3A_0 = arith.constant 0 : index
    %get3A_1 = arith.constant 0 : index
    %get3A_2 = vector.load %arg1[%get3A, %get3A_0, %get3A_1] : memref<2x1000x16xf32, #tpu.memory_space<vmem>>, vector<1x1000x16xf32>
    %get3A_3 = vector.shape_cast %get3A_2 : vector<1x1000x16xf32> to vector<1000x16xf32>
    %get3A_4 = arith.constant 1 : index
    %get3A_5 = arith.constant 0 : index
    %get3A_6 = arith.constant 0 : index
    %get3A_7 = vector.load %arg1[%get3A_4, %get3A_5, %get3A_6] : memref<2x1000x16xf32, #tpu.memory_space<vmem>>, vector<1x1000x16xf32>
    %get3A_8 = vector.shape_cast %get3A_7 : vector<1x1000x16xf32> to vector<1000x16xf32>
    %add3A = arith.addf %get3A_3, %get3A_8 : vector<1000x16xf32>
    %get3A_9 = arith.constant 0 : index
    %get3A_10 = arith.constant 0 : index
    %get3A_11 = vector.load %arg2[%get3A_9, %get3A_10] : memref<1000x16xf32, #tpu.memory_space<vmem>>, vector<1000x16xf32>
    %add3A_12 = arith.addf %add3A, %get3A_11 : vector<1000x16xf32>
    %get3A_13 = arith.constant 0 : index
    %get3A_14 = arith.constant 0 : index
    %get3A_15 = vector.load %arg3[%get3A_13, %get3A_14] : memref<1000x16xf32, #tpu.memory_space<vmem>>, vector<1000x1xf32>
    %mul3A = vector.broadcast %get3A_15 : vector<1000x1xf32> to vector<1000x16xf32>
    %mul3A_16 = arith.mulf %add3A_12, %mul3A : vector<1000x16xf32>
    %get3A_17 = arith.constant 0 : index
    %get3A_18 = arith.constant 0 : index
    %get3A_19 = vector.load %arg4[%get3A_17, %get3A_18] : memref<1x16xf32, #tpu.memory_space<vmem>>, vector<1x16xf32>
    %add3A_20 = vector.broadcast %get3A_19 : vector<1x16xf32> to vector<1000x16xf32>
    %add3A_21 = arith.addf %mul3A_16, %add3A_20 : vector<1000x16xf32>
    %reduce_max3A = arith.constant dense<0xFF800000> : vector<1000xf32>
    %reduce_max3A_22 = vector.multi_reduction <maximumf>, %add3A_21, %reduce_max3A [1] : vector<1000x16xf32> to vector<1000xf32>
    %broadcast_in_dim3A = vector.shape_cast %reduce_max3A_22 : vector<1000xf32> to vector<1000x1xf32>
    %sub3A = vector.broadcast %broadcast_in_dim3A : vector<1000x1xf32> to vector<1000x16xf32>
    %sub3A_23 = arith.subf %add3A_21, %sub3A : vector<1000x16xf32>
    %exp3A = math.exp %sub3A_23 : vector<1000x16xf32>
    %reduce_sum3A = arith.constant dense<0.000000e+00> : vector<1000xf32>
    %reduce_sum3A_24 = vector.multi_reduction <add>, %exp3A, %reduce_sum3A [1] : vector<1000x16xf32> to vector<1000xf32>
    %broadcast_in_dim3A_25 = vector.shape_cast %reduce_sum3A_24 : vector<1000xf32> to vector<1000x1xf32>
    %log3A = math.log %broadcast_in_dim3A_25 : vector<1000x1xf32>
    %sub3A_26 = vector.broadcast %log3A : vector<1000x1xf32> to vector<1000x16xf32>
    %sub3A_27 = arith.subf %sub3A_23, %sub3A_26 : vector<1000x16xf32>
    %swap3A = arith.constant 0 : index
    %swap3A_28 = arith.constant 0 : index
    %swap3A_29 = vector.load %arg5[%swap3A, %swap3A_28] : memref<1000x16xf32, #tpu.memory_space<vmem>>, vector<1000x16xf32>
    tpu.vector_store %arg5[%swap3A, %swap3A_28], %sub3A_27 {strides = array<i32>} : memref<1000x16xf32, #tpu.memory_space<vmem>>, vector<1000x16xf32>,
    return
  }
  func.func @transform_0(%arg0: i32) -> (i32, i32, i32) {
    %c0_i32 = arith.constant 0 : i32
    %c0_i32_0 = arith.constant 0 : i32
    %c0_i32_1 = arith.constant 0 : i32
    return %c0_i32, %arg0, %c0_i32_0 : i32, i32, i32
  }
  func.func @transform_1(%arg0: i32) -> (i32, i32) {
    %c0_i32 = arith.constant 0 : i32
    %c0_i32_0 = arith.constant 0 : i32
    return %arg0, %c0_i32 : i32, i32
  }
  func.func @transform_2(%arg0: i32) -> (i32, i32) {
    %c0_i32 = arith.constant 0 : i32
    %c0_i32_0 = arith.constant 0 : i32
    return %arg0, %c0_i32 : i32, i32
  }
  func.func @transform_3(%arg0: i32) -> (i32, i32) {
    %c0_i32 = arith.constant 0 : i32
    %c0_i32_0 = arith.constant 0 : i32
    %c0_i32_1 = arith.constant 0 : i32
    return %c0_i32, %c0_i32_0 : i32, i32
  }
  func.func @transform_4(%arg0: i32) -> (i32, i32) {
    %c0_i32 = arith.constant 0 : i32
    %c0_i32_0 = arith.constant 0 : i32
    return %arg0, %c0_i32 : i32, i32
  }
}

</mosaic_0001>

<sc_bundles>
// kernel: kernel.11.cloned.1.call-start
scs
__scs_entry_jumppad:
0x0: {  	(pc) =	sbr.rel $0x88, $3  }
0x1: {  	(tag) =	ssettag $0x0;
	lr =	simm.s32 $0x1  }
0x2: {  	[smem:$0x3F9B] =	sst lr;
	_ =	strace $0xD0000000  }
0x3: {  	_ = 	snop  }
0x4: {  	_ = 	snop  }
0x5: {  	_ = 	snop  }
0x6: {  	_ = 	snop  }
0x7: {  	_ = 	snop  }
__scs_overlays_trampoline_lowered:
0x8: {  	[smem:$0x3FAA] =	sst s0  }
0x9: {  	[smem:$0x3FAB] =	sst s1  }
0xa: {  	[smem:$0x3FAC] =	sst s2  }
0xb: {  	[smem:$0x3FAD] =	sst s3  }
0xc: {  	[smem:$0x3FAE] =	sst s4  }
0xd: {  	[smem:$0x3FAF] =	sst s5  }
0xe: {  	[smem:$0x3FB0] =	sst s6  }
0xf: {  	[smem:$0x3FB1] =	sst s7  }
0x10: {  	[smem:$0x3FB2] =	sst s8  }
0x11: {  	[smem:$0x3FB3] =	sst s9;
	s0 =	simm.s32 @!p0 $0x0  }
0x12: {  	s1 =	sld [smem:$0x3F99];
	s0 =	simm.s32 @p0 $0x1  }
0x13: {  	[smem:$0x3FB4] =	sst s0;
	s0 =	simm.s32 @!p1 $0x0  }
0x14: {  	s2 =	sld [smem:$0x3F98];
	s0 =	simm.s32 @p1 $0x1  }
0x15: {  	[smem:$0x3FB5] =	sst s0;
	s0 =	simm.s32 @!p2 $0x0  }
0x16: {  	s3 =	sld [smem:$0x3FDB];
	s0 =	simm.s32 @p2 $0x1  }
0x17: {  	s4 =	simm.s32 $0x1BF5;
	[smem:$0x3FB7] =	sst s0  }
0x18: {  	s0 =	sld [smem:$0x3F9A];
	_ =	swait.ge [sflag:s4], $0x0  }
0x19: {  	s7 =	sld [smem:$0x3F9B]  }
0x1a: {  	s8 =	sadd.s32 $0xFFFFE003, lr  }
0x1b: {  	s9 =	sadd.s32 $0xFFFFFEF7, lr;
	s5 =	simm.s32 $0xFFFFFFFF;
	p2 =	slt.u32 s8, $0xFFFFF086  }
0x1c: {  	p1 =	slt.u32 s9, $0xF7A;
	s5 =	simm.s32 @!p2 $0x0  }
0x1d: {  	s5 =	simm.s32 @p1 $0x1;
	p0 =	seq.s32 s7, s2  }
0x1e: {  	s7 =	smul.u32 @!p0 $0xF7A, s2;
	p2 =	seq.s32 @!p0 s5, $0x0  }
0x1f: {  	s9 =	smul.u32 $0xF7A, s1;
	s8 =	simm.s32 @!p0 $0x1BF5;
	p2 =	por !p2, p0  }
0x20: {  	[sflag:s8] =	ssyncset.s32 @!p0 $0xFFFFF086;
	s6 =	sadd.s32 @!p0 s3, s7;
	s7 =	simm.s32 @!p0 $0x108  }
0x21: {  	s3 =	sadd.s32 s3, s9;
	s6 =	sadd.s32 @!p0 $0x88, s6;
	s7 =	simm.s32 @p2 $0x1082  }
0x22: {  	[simem:s7], [sflag:s8] =	dma.local @!p0 [hbm:s6], $0xF7A  }
0x23: {  	s9 =	sor.u32 $0xD0000000, s2;
	s6 =	simm.s32 $0x108;
	_ =	swait.ge @!p0 [sflag:s8], $0x0  }
0x24: {  	s3 =	sadd.s32 $0x88, s3;
	s6 =	simm.s32 @!p1 $0x1082;
	[sflag:s4] =	ssyncset.s32 $0xFFFFF086  }
0x25: {  	[simem:s6], [sflag:s4] =	dma.local [hbm:s3], $0xF7A  }
0x26: {  	[smem:$0x3F9B] =	sst s1;
	(tag) =	ssettag s2;
	_ =	strace s9  }
0x27: {  	s1 =	sld [smem:$0x3FAB]  }
0x28: {  	s2 =	sld [smem:$0x3FAC]  }
0x29: {  	s4 =	sld [smem:$0x3FAE]  }
0x2a: {  	p0 =	seq.s32 s5, $0x0;
	s5 =	sld [smem:$0x3FAF]  }
0x2b: {  	s6 =	sld [smem:$0x3FB0]  }
0x2c: {  	s7 =	sld [smem:$0x3FB1]  }
0x2d: {  	s3 =	simm.s32 $0x108;
	s8 =	sld [smem:$0x3FB2]  }
0x2e: {  	s3 =	simm.s32 @!p0 $0x1082;
	s9 =	sld [smem:$0x3FB3]  }
0x2f: {  	lr =	sadd.s32 s0, s3;
	s0 =	sld [smem:$0x3FAA]  }
0x30: {  	s3 =	sld [smem:$0x3FAD]  }
0x31: {  	[smem:$0x3FB6] =	sst s10  }
0x32: {  	s10 =	sld [smem:$0x3FB4];
	_ =	sdelay $0x3  }
0x33: {  	p0 =	seq.s32 s10, $0x1;
	s10 =	sld [smem:$0x3FB6];
	_ =	sdelay $0x3  }
0x34: {  	[smem:$0x3FB6] =	sst s10  }
0x35: {  	s10 =	sld [smem:$0x3FB5];
	_ =	sdelay $0x3  }
0x36: {  	p1 =	seq.s32 s10, $0x1;
	s10 =	sld [smem:$0x3FB6];
	_ =	sdelay $0x3  }
0x37: {  	[smem:$0x3FB6] =	sst s10  }
0x38: {  	s10 =	sld [smem:$0x3FB7]  }
0x39: {  	_ = 	snop;
	(pc) =	sbr.ind lr, $3  }
0x3a: {  	_ = 	snop  }
0x3b: {  	_ = 	snop  }
0x3c: {  	p2 =	seq.s32 s10, $0x1;
	s10 =	sld [smem:$0x3FB6]  }
0x3d: {  	_ =	shalt  }
0x3e: {  	_ =	shalt  }
0x3f: {  	_ =	shalt  }
0x40: {  	_ =	shalt  }
0x41: {  	_ =	shalt  }
0x42: {  	_ =	shalt  }
0x43: {  	_ =	shalt  }
0x44: {  	_ =	shalt  }
0x45: {  	_ =	shalt  }
0x46: {  	_ =	shalt  }
0x47: {  	_ =	shalt  }
0x48: {  	_ =	shalt  }
0x49: {  	_ =	shalt  }
0x4a: {  	_ =	shalt  }
0x4b: {  	_ =	shalt  }
0x4c: {  	_ =	shalt  }
0x4d: {  	_ =	shalt  }
0x4e: {  	_ =	shalt  }
0x4f: {  	_ =	shalt  }
0x50: {  	_ =	shalt  }
0x51: {  	_ =	shalt  }
0x52: {  	_ =	shalt  }
0x53: {  	_ =	shalt  }
0x54: {  	_ =	shalt  }
0x55: {  	_ =	shalt  }
0x56: {  	_ =	shalt  }
0x57: {  	_ =	shalt  }
0x58: {  	_ =	shalt  }
0x59: {  	_ =	shalt  }
0x5a: {  	_ =	shalt  }
0x5b: {  	_ =	shalt  }
0x5c: {  	_ =	shalt  }
0x5d: {  	_ =	shalt  }
0x5e: {  	_ =	shalt  }
0x5f: {  	_ =	shalt  }
0x60: {  	_ =	shalt  }
0x61: {  	_ =	shalt  }
0x62: {  	_ =	shalt  }
0x63: {  	_ =	shalt  }
0x64: {  	_ =	shalt  }
0x65: {  	_ =	shalt  }
0x66: {  	_ =	shalt  }
0x67: {  	_ =	shalt  }
0x68: {  	_ =	shalt  }
0x69: {  	_ =	shalt  }
0x6a: {  	_ =	shalt  }
0x6b: {  	_ =	shalt  }
0x6c: {  	_ =	shalt  }
0x6d: {  	_ =	shalt  }
0x6e: {  	_ =	shalt  }
0x6f: {  	_ =	shalt  }
0x70: {  	_ =	shalt  }
0x71: {  	_ =	shalt  }
0x72: {  	_ =	shalt  }
0x73: {  	_ =	shalt  }
0x74: {  	_ =	shalt  }
0x75: {  	_ =	shalt  }
0x76: {  	_ =	shalt  }
0x77: {  	_ =	shalt  }
0x78: {  	_ =	shalt  }
0x79: {  	_ =	shalt  }
0x7a: {  	_ =	shalt  }
0x7b: {  	_ =	shalt  }
0x7c: {  	_ =	shalt  }
0x7d: {  	_ =	shalt  }
0x7e: {  	_ =	shalt  }
0x7f: {  	_ =	shalt  }
0x80: {  	_ =	shalt  }
0x81: {  	_ =	shalt  }
0x82: {  	_ =	shalt  }
0x83: {  	_ =	shalt  }
0x84: {  	_ =	shalt  }
0x85: {  	_ =	shalt  }
0x86: {  	_ =	shalt  }
0x87: {  	_ =	shalt  }
.Lfunc_end0:
.L_simem_size_0:
called_computation.1_lowered:
.L_overlay_start_0:
0x88: {  	s2 =	sld [smem:$0x3FD9]  }
0x89: {  	s3 =	sld [smem:$0x3FFE];
	_ =	sdelay $0x1  }
0x8a: {  	s1 =	srdreg.scid  }
0x8b: {  	s0 =	sand.u32 $0x1, s1  }
0x8c: {  	s17 =	sshll.u32 s0, $0xA;
	s2 =	sadd.s32 s3, s2  }
0x8d: {  	s2 =	sadd.s32 s2, s17  }
0x8e: {  	[smem:$0x3FC2] =	sst s2  }
0x8f: {  	_ = 	snop  }
0x90: {  	s2 =	sld [smem:$0x3FD0];
	(tm) =	ssettm $0x1  }
0x91: {  	s18 =	sld [smem:$0x3FFB];
	_ =	sdelay $0x3  }
0x92: {  	_ =	strace s18  }
0x93: {  	s3 =	sld [smem:$0x3FFC];
	_ =	sdelay $0x3  }
0x94: {  	_ =	strace s3  }
0x95: {  	s3 =	sld [smem:$0x3FFD];
	_ =	sdelay $0x3  }
0x96: {  	_ =	strace s3  }
0x97: {  	_ =	strace $0x8FFFFFFF  }
0x98: {  	s19 =	sld [smem:$0x3FDB];
	_ =	sdelay $0x1  }
0x99: {  	s4 =	simm.s32 $_scs_section_size  }
0x9a: {  	s5 =	simm.s32 $_size__tile_overlayer_lowered;
	s6 =	simm.s32 $_tile_overlayer_lowered  }
0x9b: {  	s22 =	simm.s32 $0x1BFF;
	s21 =	sshll.u32 s6, $0x1;
	s3 =	sadd.s32 s4, s19  }
0x9c: {  	s7 =	simm.s32 $0x0;
	s20 =	sshll.u32 s5, $0x1;
	s5 =	sadd.s32 s21, s3  }
0x9d: {  	[timem:s7], [sflag:s22] =	dma.local [hbm:s5], s20  }
0x9e: {  	_ =	swait.ge [sflag:s22], s20  }
0x9f: {  	s4 =	ssub.s32 $0x0, s20;
	[sflag:s22] =	ssyncset.done $0x0  }
0xa0: {  	[sflag:s22] =	ssyncadd.s32 s4;
	_ =	sdelay $0x1  }
0xa1: {  	s23 =	simm.s32 $0x1B8B  }
0xa2: {  	_ =	swait.ge [sflag:s23], $0x1  }
0xa3: {  	[sflag:s23] =	ssyncset.done $0x0  }
0xa4: {  	s25 =	simm.s32 $0x1B8E;
	s24 =	sld [smem:$0x3FFE];
	[sflag:s23] =	ssyncadd.s32 $0xFFFFFFFF  }
0xa5: {  	s26 =	simm.s32 $execute0_lowered;
	[smem:$0x3FD2] =	sst s25  }
0xa6: {  	s5 =	sshll.u32 s26, $0x1;
	_ =	strace $0x80000049;
	[dreg:$0x1] =	wrdreg $0xFFFFFFFF  }
0xa7: {  	s28 =	simm.s32 $_size_execute0_lowered;
	s3 =	sadd.s32 s3, s5;
	[dreg:$0x0] =	wrdreg $0x0  }
0xa8: {  	s5 =	sshll.u32 s28, $0x1;
	[dreg:$0x2] =	wrdreg s3  }
0xa9: {  	[dreg:$0x3] =	wrdreg s5  }
0xaa: {  	[dreg:$0x4] =	wrdreg $0xC0  }
0xab: {  	_ =	task [dreg:s7], $0x5FFFF  }
0xac: {  	[dreg:$0x1] =	wrdreg $0xFFFFFFFF  }
0xad: {  	[dreg:$0x0] =	wrdreg $0x60  }
0xae: {  	[dreg:$0x2] =	wrdreg s24  }
0xaf: {  	[dreg:$0x3] =	wrdreg s2  }
0xb0: {  	[dreg:$0x4] =	wrdreg $0x8F000  }
0xb1: {  	[dreg:$0x5] =	wrdreg $0x9  }
0xb2: {  	_ =	task.clear_ibuf [dreg:s7], $0x6FFFF;
	_ =	strace $0x90000049  }
0xb3: {  	s29 =	simm.s32 $0x9;
	_ =	strace $0x8000004B  }
0xb4: {  	_ =	swait.ge [sflag:s29], $0x1  }
0xb5: {  	[sflag:s29] =	ssyncadd.s32 $0xFFFFFFFF  }
0xb6: {  	_ =	strace $0x9000004B  }
0xb7: {  	_ =	sfence  }
0xb8: {  	s30 =	sld [smem:$0x0];
	_ =	sdelay $0x2  }
0xb9: {  	s31 =	sshll.u32 s1, $0xD;
	s1 =	sshrl.u32 s1, $0x2  }
0xba: {  	s3 =	sand.u32 $0x4000, s31;
	s1 =	sadd.s32 s1, s30  }
0xbb: {  	s0 =	sor.u32 s3, s0;
	s1 =	sshll.u32 s1, $0x11  }
0xbc: {  	s0 =	sor.u32 s1, s0  }
0xbd: {  	s0 =	sadd.s32 $0x8F2B, s0  }
0xbe: {  	[sflag:s0] =	ssyncadd.remote.s32 $0x1  }
0xbf: {  	_ =	sfence.sel $0xFFFF  }
0xc0: {  	[dreg:$0x0] =	wrdreg $0xFFFFFFFF;
	(pc) =	sbr.abs _section_cstart, $3  }
0xc1: {  	[dreg:$0x1] =	wrdreg $0xFFFFFFFF  }
0xc2: {  	_ =	task.clear_ibuf [dreg:s7], $0x2FFFF;
	_ =	strace $0x9FFFFFFF  }
0xc3: {  	(tm) =	ssettm $0x7FFFFFFF  }
tec
execute0_lowered:
.L_overlay_start_1:
0x0: {  	(tag) =	ssettag $0x1  }
0x1: {  	s0 =	rddreg [dreg:$0x0]  }
0x2: {  	s2 =	rddreg [dreg:$0x2]  }
0x3: {  	s3 =	srdreg.scid;
	s4 =	simm.s32 $0x0;
	s1 =	stileid.u32  }
0x4: {  	s28 =	simm.s32 $0x80;
	s29 =	simm.s32 $0x1;
	s30 =	simm.s32 $0x0  }
0x5: {  	s8 =	sand.u32 $0x1, s3;
	[smem:$0x7FF] =	sst s4;
	s9 =	smul.u32 $0x50000, s1  }
0x6: {  	s19 =	smul.u32 $0x14000, s1;
	s5 =	sshll.u32 s8, $0x4;
	_ =	strace $0x8000004A  }
0x7: {  	s7 =	ssub.s32 $0x2, s8;
	s20 =	smul.u32 $0x140000, s8;
	s5 =	sor.u32 s1, s5  }
0x8: {  	s25 =	sshrl.u32 s7, $0x1;
	s26 =	sshrl.u32 s9, $0x2;
	s9 =	sadd.s32 s19, s2  }
0x9: {  	s16 =	sadd.s32 $0x4000, s19;
	s21 =	sadd.s32 $0x8000, s19;
	s22 =	sadd.s32 $0xC000, s19  }
0xa: {  	s23 =	sadd.s32 $0x10000, s19;
	s6 =	smul.u32 $0x4F0, s5;
	s5 =	sadd.s32 $0x1FE00, s0  }
0xb: {  	s11 =	ssub.s32 s7, s25;
	s14 =	sadd.s32 s20, s19;
	s17 =	sadd.s32 s20, s16  }
0xc: {  	s16 =	sadd.s32 s16, s2;
	s18 =	sadd.s32 s21, s2;
	s21 =	sadd.s32 s20, s21  }
0xd: {  	s31 =	sadd.s32 s20, s22;
	s24 =	sadd.s32 s20, s23;
	s20 =	sadd.s32 s22, s2  }
0xe: {  	s22 =	sadd.s32 s23, s2;
	s25 =	simm.s32 $0x2;
	s15 =	sshrl.u32 s14, $0x3  }
0xf: {  	s17 =	sshrl.u32 s17, $0x3;
	s21 =	sshrl.u32 s21, $0x3;
	s24 =	sshrl.u32 s24, $0x3  }
0x10: {  	s10 =	sadd.s32 s6, s0;
	s0 =	sadd.s32 $0x47000, s0;
	s6 =	sadd.s32 s26, s2  }
0x11: {  	s26 =	simm.s32 $0x2780;
	s7 =	sadd.s32 $0x16000, s10;
	s8 =	sadd.s32 $0x2000, s10  }
0x12: {  	s10 =	smax.u32 s11, $0x1;
	s11 =	sadd.s32 $0x4000, s6;
	s12 =	sadd.s32 $0x8000, s6  }
0x13: {  	s13 =	sadd.s32 $0xC000, s6;
	s14 =	sadd.s32 $0x10000, s6;
	s15 =	sadd.s32 s0, s15  }
0x14: {  	s17 =	sadd.s32 s0, s17;
	s19 =	sadd.s32 s0, s21;
	s21 =	sshrl.u32 s31, $0x3  }
0x15: {  	s23 =	sadd.s32 s0, s24;
	s24 =	simm.s32 $0x4F00;
	s21 =	sadd.s32 s0, s21  }
.LBB2_1:
0x16: {  	s0 =	rddreg [dreg:$0x1]  }
0x17: {  	[tilespmem:s24], [sflag:$0x2] =	stream.linear.gather [hbm4b:s0+s4], $0x4000, $0x38;
	[tilespmem:$0x1CF00] =	vst v63  }
0x18: {  	_ =	swait.ge [sflag:s25], $0x4000  }
0x19: {  	[sflag:s25] =	ssyncset.done $0x0  }
0x1a: {  	[sflag:s25] =	ssyncadd.s32 $0xFFFFC000  }
0x1b: {  	[spmem:s6] =	stream.linear.scatter [tilespmem:s24], [sflag:$0x2], $0x4000, $0x38;
	[tilespmem:$0x1CF00] =	vst v63  }
0x1c: {  	_ =	swait.ge [sflag:s25], $0x4000  }
0x1d: {  	[sflag:s25] =	ssyncset.done $0x0  }
0x1e: {  	[sflag:s25] =	ssyncadd.s32 $0xFFFFC000  }
0x1f: {  	[spmem:s11] =	stream.linear.scatter [tilespmem:s24], [sflag:$0x2], $0x4000, $0x38;
	[tilespmem:$0x1CF00] =	vst v63  }
0x20: {  	_ =	swait.ge [sflag:s25], $0x4000  }
0x21: {  	[sflag:s25] =	ssyncset.done $0x0  }
0x22: {  	[sflag:s25] =	ssyncadd.s32 $0xFFFFC000  }
0x23: {  	[spmem:s12] =	stream.linear.scatter [tilespmem:s24], [sflag:$0x2], $0x4000, $0x38;
	[tilespmem:$0x1CF00] =	vst v63  }
0x24: {  	_ =	swait.ge [sflag:s25], $0x4000  }
0x25: {  	[sflag:s25] =	ssyncset.done $0x0  }
0x26: {  	[sflag:s25] =	ssyncadd.s32 $0xFFFFC000  }
0x27: {  	[spmem:s13] =	stream.linear.scatter [tilespmem:s24], [sflag:$0x2], $0x4000, $0x38;
	[tilespmem:$0x1CF00] =	vst v63  }
0x28: {  	_ =	swait.ge [sflag:s25], $0x4000  }
0x29: {  	[sflag:s25] =	ssyncset.done $0x0  }
0x2a: {  	[sflag:s25] =	ssyncadd.s32 $0xFFFFC000  }
0x2b: {  	[spmem:s14] =	stream.linear.scatter [tilespmem:s24], [sflag:$0x2], $0x4000, $0x38;
	[tilespmem:$0x1CF00] =	vst v63  }
0x2c: {  	_ =	swait.ge [sflag:s25], $0x4000  }
0x2d: {  	[sflag:s25] =	ssyncset.done $0x0  }
0x2e: {  	[sflag:s25] =	ssyncadd.s32 $0xFFFFC000  }
0x2f: {  	[tilespmem:s4], [sflag:$0x2] =	stream.linear.gather [hbm4b:s7+s4], $0x2780, $0x38;
	[tilespmem:$0x1CF00] =	vst v63  }
0x30: {  	_ =	swait.ge [sflag:s25], $0x2780  }
0x31: {  	[sflag:s25] =	ssyncset.done $0x0  }
0x32: {  	[sflag:s25] =	ssyncadd.s32 $0xFFFFD880  }
0x33: {  	[tilespmem:s26], [sflag:$0x2] =	stream.linear.gather [hbm4b:s8+s4], $0x2780, $0x38;
	[tilespmem:$0x1CF00] =	vst v63  }
0x34: {  	_ =	swait.ge [sflag:s25], $0x2780  }
0x35: {  	[sflag:s25] =	ssyncset.done $0x0  }
0x36: {  	[sflag:s25] =	ssyncadd.s32 $0xFFFFD880  }
0x37: {  	s1 =	simm.s32 $0x0;
	[bflag:$0x0] =	sbarrier.arrive $0xFFFF  }
0x38: {  	[tilespmem:s24], [sflag:$0x1] =	stream.indirect.gather [hbm4b:s5+s28], $0x80, s1, s28, $0xb8;
	[tilespmem:$0x1CF00] =	vst v63  }
0x39: {  	_ =	swait.ge [sflag:s29], $0x4000  }
0x3a: {  	[sflag:s29] =	ssyncset.done $0x0  }
0x3b: {  	s3 =	simm.s32 $0x2780;
	[sflag:s29] =	ssyncadd.s32 $0xFFFFC000  }
0x3c: {  	[spmem:s2] =	stream.indirect.scatter.add.f32 [tilespmem:s24], [sflag:$0x2], $0x80, s3, s28, $0xb8;
	[tilespmem:$0x1CF00] =	vst v63  }
0x3d: {  	_ =	swait.ge [sflag:s25], $0x4000  }
0x3e: {  	s31 =	simm.s32 $0x200;
	s0 =	simm.s32 $0x400;
	[sflag:s25] =	ssyncset.done $0x0  }
.LBB2_2:
0x3f: {  	s3 =	sshra.s32 s31, $0x2  }
0x40: {  	[sflag:s25] =	ssyncadd.s32 $0xFFFFC000;
	s31 =	smov.u32 s0;
	s1 =	sadd.s32 $0x200, s0  }
0x41: {  	[tilespmem:s24], [sflag:$0x1] =	stream.indirect.gather [hbm4b:s5+s28], $0x80, s3, s28, $0xb8;
	[tilespmem:$0x1CF00] =	vst v63  }
0x42: {  	p0 =	sne.s32 s0, $0x9C00;
	_ =	swait.ge [sflag:s29], $0x4000  }
.Ltmp0:
0x43: {  	[sflag:s29] =	ssyncset.done $0x0;
	(pc) =	sbr.rel @p0 .LBB2_2-.Ltmp0, $4  }
0x44: {  	s0 =	sadd.s32 $0x2780, s3;
	[sflag:s29] =	ssyncadd.s32 $0xFFFFC000  }
0x45: {  	[spmem:s2] =	stream.indirect.scatter.add.f32 [tilespmem:s24], [sflag:$0x2], $0x80, s0, s28, $0xb8;
	[tilespmem:$0x1CF00] =	vst v63  }
0x46: {  	_ =	swait.ge [sflag:s25], $0x4000  }
0x47: {  	s0 =	smov.u32 s1;
	[sflag:s25] =	ssyncset.done $0x0  }
0x48: {  	s0 =	sshra.s32 s31, $0x2;
	[sflag:s25] =	ssyncadd.s32 $0xFFFFC000  }
0x49: {  	[tilespmem:s24], [sflag:$0x1] =	stream.indirect.gather [hbm4b:s5+s28], $0x80, s0, s28, $0xb8;
	[tilespmem:$0x1CF00] =	vst v63  }
0x4a: {  	_ =	swait.ge [sflag:s29], $0x4000  }
0x4b: {  	[sflag:s29] =	ssyncset.done $0x0  }
0x4c: {  	s0 =	sadd.s32 $0x2780, s0;
	[sflag:s29] =	ssyncadd.s32 $0xFFFFC000  }
0x4d: {  	[spmem:s2] =	stream.indirect.scatter.add.f32 [tilespmem:s24], [sflag:$0x2], $0x80, s0, s28, $0xb8;
	[tilespmem:$0x1CF00] =	vst v63  }
0x4e: {  	_ =	swait.ge [sflag:s25], $0x4000  }
0x4f: {  	[sflag:s25] =	ssyncset.done $0x0  }
0x50: {  	[sflag:s25] =	ssyncadd.s32 $0xFFFFC000  }
0x51: {  	[bflag:$0x0] =	sbarrier.arrive $0xFFFF  }
0x52: {  	[tilespmem:s24], [sflag:$0x2] =	stream.linear.gather [spmem:s9], $0x4000, $0x38;
	[tilespmem:$0x1CF00] =	vst v63  }
0x53: {  	_ =	swait.ge [sflag:s25], $0x4000  }
0x54: {  	[sflag:s25] =	ssyncset.done $0x0  }
0x55: {  	[sflag:s25] =	ssyncadd.s32 $0xFFFFC000  }
0x56: {  	[hbm4b:s15+s4] =	stream.linear.scatter [tilespmem:s24], [sflag:$0x2], $0x4000, $0x38;
	[tilespmem:$0x1CF00] =	vst v63  }
0x57: {  	_ =	swait.ge [sflag:s25], $0x4000  }
0x58: {  	[sflag:s25] =	ssyncset.done $0x0  }
0x59: {  	[sflag:s25] =	ssyncadd.s32 $0xFFFFC000  }
0x5a: {  	[tilespmem:s24], [sflag:$0x2] =	stream.linear.gather [spmem:s16], $0x4000, $0x38;
	[tilespmem:$0x1CF00] =	vst v63  }
0x5b: {  	_ =	swait.ge [sflag:s25], $0x4000  }
0x5c: {  	[sflag:s25] =	ssyncset.done $0x0  }
0x5d: {  	[sflag:s25] =	ssyncadd.s32 $0xFFFFC000  }
0x5e: {  	[hbm4b:s17+s4] =	stream.linear.scatter [tilespmem:s24], [sflag:$0x2], $0x4000, $0x38;
	[tilespmem:$0x1CF00] =	vst v63  }
0x5f: {  	_ =	swait.ge [sflag:s25], $0x4000  }
0x60: {  	[sflag:s25] =	ssyncset.done $0x0  }
0x61: {  	[sflag:s25] =	ssyncadd.s32 $0xFFFFC000  }
0x62: {  	[tilespmem:s24], [sflag:$0x2] =	stream.linear.gather [spmem:s18], $0x4000, $0x38;
	[tilespmem:$0x1CF00] =	vst v63  }
0x63: {  	_ =	swait.ge [sflag:s25], $0x4000  }
0x64: {  	[sflag:s25] =	ssyncset.done $0x0  }
0x65: {  	[sflag:s25] =	ssyncadd.s32 $0xFFFFC000  }
0x66: {  	[hbm4b:s19+s4] =	stream.linear.scatter [tilespmem:s24], [sflag:$0x2], $0x4000, $0x38;
	[tilespmem:$0x1CF00] =	vst v63  }
0x67: {  	_ =	swait.ge [sflag:s25], $0x4000  }
0x68: {  	[sflag:s25] =	ssyncset.done $0x0  }
0x69: {  	[sflag:s25] =	ssyncadd.s32 $0xFFFFC000  }
0x6a: {  	[tilespmem:s24], [sflag:$0x2] =	stream.linear.gather [spmem:s20], $0x4000, $0x38;
	[tilespmem:$0x1CF00] =	vst v63  }
0x6b: {  	_ =	swait.ge [sflag:s25], $0x4000  }
0x6c: {  	[sflag:s25] =	ssyncset.done $0x0  }
0x6d: {  	[sflag:s25] =	ssyncadd.s32 $0xFFFFC000  }
0x6e: {  	[hbm4b:s21+s4] =	stream.linear.scatter [tilespmem:s24], [sflag:$0x2], $0x4000, $0x38;
	[tilespmem:$0x1CF00] =	vst v63  }
0x6f: {  	_ =	swait.ge [sflag:s25], $0x4000  }
0x70: {  	[sflag:s25] =	ssyncset.done $0x0  }
0x71: {  	[sflag:s25] =	ssyncadd.s32 $0xFFFFC000  }
0x72: {  	[tilespmem:s24], [sflag:$0x2] =	stream.linear.gather [spmem:s22], $0x4000, $0x38;
	[tilespmem:$0x1CF00] =	vst v63  }
0x73: {  	s30 =	sadd.s32 $0x1, s30;
	_ =	swait.ge [sflag:s25], $0x4000  }
0x74: {  	p0 =	sne.s32 s30, s10;
	[sflag:s25] =	ssyncset.done $0x0  }
.Ltmp1:
0x75: {  	[sflag:s25] =	ssyncadd.s32 $0xFFFFC000;
	(pc) =	sbr.rel @p0 .LBB2_1-.Ltmp1, $4  }
0x76: {  	[hbm4b:s23+s4] =	stream.linear.scatter [tilespmem:s24], [sflag:$0x2], $0x4000, $0x38;
	[tilespmem:$0x1CF00] =	vst v63  }
0x77: {  	_ =	swait.ge [sflag:s25], $0x4000  }
0x78: {  	[sflag:s25] =	ssyncset.done $0x0  }
0x79: {  	[sflag:s25] =	ssyncadd.s32 $0xFFFFC000  }
0x7a: {  	_ =	sfence.sel $0x180000  }
0x7b: {  	[bflag:$0x0] =	sbarrier.arrive $0xFFFF  }
0x7c: {  	_ =	strace $0x9000004A  }
0x7d: {  	s0 =	stileid.u32;
	[bflag:$0x2] =	sbarrier.arrive $0xFFFF  }
0x7e: {  	p0 =	sne.s32 s0, $0x0;
	s0 =	rddreg [dreg:$0x3]  }
0x7f: {  	s0 =	sadd.s32 @!p0 $0x100000, s0  }
0x80: {  	[sflag:s0] =	ssyncadd.tile.s32 @!p0 $0x1;
	_ =	shalt  }
.Lfunc_end2:
_tile_overlayer_lowered:
.L_overlay_start_2:
0x81: {  	(tag) =	ssettag $0x2  }
0x82: {  	s0 =	rddreg [dreg:$0x0];
	s2 =	stileid.u32  }
0x83: {  	s1 =	rddreg [dreg:$0x1];
	p0 =	sne.s32 s2, $0x0  }
0x84: {  	s3 =	rddreg [dreg:$0x2];
	[bflag:$0x3] =	sbarrier.arrive $0xFFFF;
	s2 =	simm.s32 @!p0 $0x1C02  }
0x85: {  	[timem:s3], [sflag:s2] =	dma.local @!p0 [hbm:s0], s1  }
0x86: {  	s0 =	simm.s32 @!p0 $0x2  }
0x87: {  	_ =	swait.ge @!p0 [sflag:s0], s1  }
0x88: {  	s1 =	ssub.s32 @!p0 $0x0, s1;
	[sflag:s0] =	ssyncset.done @!p0 $0x0  }
0x89: {  	[sflag:s0] =	ssyncadd.s32 @!p0 s1  }
0x8a: {  	[bflag:$0x3] =	sbarrier.arrive $0xFFFF  }
0x8b: {  	_ =	shalt  }

// kernel: kernel.14.cloned.1.call-start
scs
__scs_entry_jumppad:
0x0: {  	(pc) =	sbr.rel $0x88, $3  }
0x1: {  	(tag) =	ssettag $0x0;
	lr =	simm.s32 $0x1  }
0x2: {  	[smem:$0x3F9B] =	sst lr;
	_ =	strace $0xD0000000  }
0x3: {  	_ = 	snop  }
0x4: {  	_ = 	snop  }
0x5: {  	_ = 	snop  }
0x6: {  	_ = 	snop  }
0x7: {  	_ = 	snop  }
__scs_overlays_trampoline_lowered:
0x8: {  	[smem:$0x3FAA] =	sst s0  }
0x9: {  	[smem:$0x3FAB] =	sst s1  }
0xa: {  	[smem:$0x3FAC] =	sst s2  }
0xb: {  	[smem:$0x3FAD] =	sst s3  }
0xc: {  	[smem:$0x3FAE] =	sst s4  }
0xd: {  	[smem:$0x3FAF] =	sst s5  }
0xe: {  	[smem:$0x3FB0] =	sst s6  }
0xf: {  	[smem:$0x3FB1] =	sst s7  }
0x10: {  	[smem:$0x3FB2] =	sst s8  }
0x11: {  	[smem:$0x3FB3] =	sst s9;
	s0 =	simm.s32 @!p0 $0x0  }
0x12: {  	s1 =	sld [smem:$0x3F99];
	s0 =	simm.s32 @p0 $0x1  }
0x13: {  	[smem:$0x3FB4] =	sst s0;
	s0 =	simm.s32 @!p1 $0x0  }
0x14: {  	s2 =	sld [smem:$0x3F98];
	s0 =	simm.s32 @p1 $0x1  }
0x15: {  	[smem:$0x3FB5] =	sst s0;
	s0 =	simm.s32 @!p2 $0x0  }
0x16: {  	s3 =	sld [smem:$0x3FDB];
	s0 =	simm.s32 @p2 $0x1  }
0x17: {  	s4 =	simm.s32 $0x1BF5;
	[smem:$0x3FB7] =	sst s0  }
0x18: {  	s0 =	sld [smem:$0x3F9A];
	_ =	swait.ge [sflag:s4], $0x0  }
0x19: {  	s7 =	sld [smem:$0x3F9B]  }
0x1a: {  	s8 =	sadd.s32 $0xFFFFE003, lr  }
0x1b: {  	s9 =	sadd.s32 $0xFFFFFEF7, lr;
	s5 =	simm.s32 $0xFFFFFFFF;
	p2 =	slt.u32 s8, $0xFFFFF086  }
0x1c: {  	p1 =	slt.u32 s9, $0xF7A;
	s5 =	simm.s32 @!p2 $0x0  }
0x1d: {  	s5 =	simm.s32 @p1 $0x1;
	p0 =	seq.s32 s7, s2  }
0x1e: {  	s7 =	smul.u32 @!p0 $0xF7A, s2;
	p2 =	seq.s32 @!p0 s5, $0x0  }
0x1f: {  	s9 =	smul.u32 $0xF7A, s1;
	s8 =	simm.s32 @!p0 $0x1BF5;
	p2 =	por !p2, p0  }
0x20: {  	[sflag:s8] =	ssyncset.s32 @!p0 $0xFFFFF086;
	s6 =	sadd.s32 @!p0 s3, s7;
	s7 =	simm.s32 @!p0 $0x108  }
0x21: {  	s3 =	sadd.s32 s3, s9;
	s6 =	sadd.s32 @!p0 $0x88, s6;
	s7 =	simm.s32 @p2 $0x1082  }
0x22: {  	[simem:s7], [sflag:s8] =	dma.local @!p0 [hbm:s6], $0xF7A  }
0x23: {  	s9 =	sor.u32 $0xD0000000, s2;
	s6 =	simm.s32 $0x108;
	_ =	swait.ge @!p0 [sflag:s8], $0x0  }
0x24: {  	s3 =	sadd.s32 $0x88, s3;
	s6 =	simm.s32 @!p1 $0x1082;
	[sflag:s4] =	ssyncset.s32 $0xFFFFF086  }
0x25: {  	[simem:s6], [sflag:s4] =	dma.local [hbm:s3], $0xF7A  }
0x26: {  	[smem:$0x3F9B] =	sst s1;
	(tag) =	ssettag s2;
	_ =	strace s9  }
0x27: {  	s1 =	sld [smem:$0x3FAB]  }
0x28: {  	s2 =	sld [smem:$0x3FAC]  }
0x29: {  	s4 =	sld [smem:$0x3FAE]  }
0x2a: {  	p0 =	seq.s32 s5, $0x0;
	s5 =	sld [smem:$0x3FAF]  }
0x2b: {  	s6 =	sld [smem:$0x3FB0]  }
0x2c: {  	s7 =	sld [smem:$0x3FB1]  }
0x2d: {  	s3 =	simm.s32 $0x108;
	s8 =	sld [smem:$0x3FB2]  }
0x2e: {  	s3 =	simm.s32 @!p0 $0x1082;
	s9 =	sld [smem:$0x3FB3]  }
0x2f: {  	lr =	sadd.s32 s0, s3;
	s0 =	sld [smem:$0x3FAA]  }
0x30: {  	s3 =	sld [smem:$0x3FAD]  }
0x31: {  	[smem:$0x3FB6] =	sst s10  }
0x32: {  	s10 =	sld [smem:$0x3FB4];
	_ =	sdelay $0x3  }
0x33: {  	p0 =	seq.s32 s10, $0x1;
	s10 =	sld [smem:$0x3FB6];
	_ =	sdelay $0x3  }
0x34: {  	[smem:$0x3FB6] =	sst s10  }
0x35: {  	s10 =	sld [smem:$0x3FB5];
	_ =	sdelay $0x3  }
0x36: {  	p1 =	seq.s32 s10, $0x1;
	s10 =	sld [smem:$0x3FB6];
	_ =	sdelay $0x3  }
0x37: {  	[smem:$0x3FB6] =	sst s10  }
0x38: {  	s10 =	sld [smem:$0x3FB7]  }
0x39: {  	_ = 	snop;
	(pc) =	sbr.ind lr, $3  }
0x3a: {  	_ = 	snop  }
0x3b: {  	_ = 	snop  }
0x3c: {  	p2 =	seq.s32 s10, $0x1;
	s10 =	sld [smem:$0x3FB6]  }
0x3d: {  	_ =	shalt  }
0x3e: {  	_ =	shalt  }
0x3f: {  	_ =	shalt  }
0x40: {  	_ =	shalt  }
0x41: {  	_ =	shalt  }
0x42: {  	_ =	shalt  }
0x43: {  	_ =	shalt  }
0x44: {  	_ =	shalt  }
0x45: {  	_ =	shalt  }
0x46: {  	_ =	shalt  }
0x47: {  	_ =	shalt  }
0x48: {  	_ =	shalt  }
0x49: {  	_ =	shalt  }
0x4a: {  	_ =	shalt  }
0x4b: {  	_ =	shalt  }
0x4c: {  	_ =	shalt  }
0x4d: {  	_ =	shalt  }
0x4e: {  	_ =	shalt  }
0x4f: {  	_ =	shalt  }
0x50: {  	_ =	shalt  }
0x51: {  	_ =	shalt  }
0x52: {  	_ =	shalt  }
0x53: {  	_ =	shalt  }
0x54: {  	_ =	shalt  }
0x55: {  	_ =	shalt  }
0x56: {  	_ =	shalt  }
0x57: {  	_ =	shalt  }
0x58: {  	_ =	shalt  }
0x59: {  	_ =	shalt  }
0x5a: {  	_ =	shalt  }
0x5b: {  	_ =	shalt  }
0x5c: {  	_ =	shalt  }
0x5d: {  	_ =	shalt  }
0x5e: {  	_ =	shalt  }
0x5f: {  	_ =	shalt  }
0x60: {  	_ =	shalt  }
0x61: {  	_ =	shalt  }
0x62: {  	_ =	shalt  }
0x63: {  	_ =	shalt  }
0x64: {  	_ =	shalt  }
0x65: {  	_ =	shalt  }
0x66: {  	_ =	shalt  }
0x67: {  	_ =	shalt  }
0x68: {  	_ =	shalt  }
0x69: {  	_ =	shalt  }
0x6a: {  	_ =	shalt  }
0x6b: {  	_ =	shalt  }
0x6c: {  	_ =	shalt  }
0x6d: {  	_ =	shalt  }
0x6e: {  	_ =	shalt  }
0x6f: {  	_ =	shalt  }
0x70: {  	_ =	shalt  }
0x71: {  	_ =	shalt  }
0x72: {  	_ =	shalt  }
0x73: {  	_ =	shalt  }
0x74: {  	_ =	shalt  }
0x75: {  	_ =	shalt  }
0x76: {  	_ =	shalt  }
0x77: {  	_ =	shalt  }
0x78: {  	_ =	shalt  }
0x79: {  	_ =	shalt  }
0x7a: {  	_ =	shalt  }
0x7b: {  	_ =	shalt  }
0x7c: {  	_ =	shalt  }
0x7d: {  	_ =	shalt  }
0x7e: {  	_ =	shalt  }
0x7f: {  	_ =	shalt  }
0x80: {  	_ =	shalt  }
0x81: {  	_ =	shalt  }
0x82: {  	_ =	shalt  }
0x83: {  	_ =	shalt  }
0x84: {  	_ =	shalt  }
0x85: {  	_ =	shalt  }
0x86: {  	_ =	shalt  }
0x87: {  	_ =	shalt  }
.Lfunc_end0:
.L_simem_size_0:
called_computation.2_lowered:
.L_overlay_start_0:
0x88: {  	s2 =	sld [smem:$0x3FD9]  }
0x89: {  	s3 =	sld [smem:$0x3FFE];
	_ =	sdelay $0x1  }
0x8a: {  	s1 =	srdreg.scid  }
0x8b: {  	s0 =	sand.u32 $0x1, s1  }
0x8c: {  	s17 =	sshll.u32 s0, $0xA;
	s2 =	sadd.s32 s3, s2  }
0x8d: {  	s2 =	sadd.s32 s2, s17  }
0x8e: {  	[smem:$0x3FC2] =	sst s2  }
0x8f: {  	_ = 	snop  }
0x90: {  	s2 =	sld [smem:$0x3FD0];
	(tm) =	ssettm $0x1  }
0x91: {  	s18 =	sld [smem:$0x3FFB];
	_ =	sdelay $0x3  }
0x92: {  	_ =	strace s18  }
0x93: {  	s3 =	sld [smem:$0x3FFC];
	_ =	sdelay $0x3  }
0x94: {  	_ =	strace s3  }
0x95: {  	s3 =	sld [smem:$0x3FFD];
	_ =	sdelay $0x3  }
0x96: {  	_ =	strace s3  }
0x97: {  	_ =	strace $0x8FFFFFFF  }
0x98: {  	s19 =	sld [smem:$0x3FDB];
	_ =	sdelay $0x1  }
0x99: {  	s4 =	simm.s32 $_scs_section_size  }
0x9a: {  	s5 =	simm.s32 $_size__tile_overlayer_lowered;
	s6 =	simm.s32 $_tile_overlayer_lowered  }
0x9b: {  	s22 =	simm.s32 $0x1BFF;
	s21 =	sshll.u32 s6, $0x1;
	s3 =	sadd.s32 s4, s19  }
0x9c: {  	s7 =	simm.s32 $0x0;
	s20 =	sshll.u32 s5, $0x1;
	s5 =	sadd.s32 s21, s3  }
0x9d: {  	[timem:s7], [sflag:s22] =	dma.local [hbm:s5], s20  }
0x9e: {  	_ =	swait.ge [sflag:s22], s20  }
0x9f: {  	s4 =	ssub.s32 $0x0, s20;
	[sflag:s22] =	ssyncset.done $0x0  }
0xa0: {  	[sflag:s22] =	ssyncadd.s32 s4;
	_ =	sdelay $0x1  }
0xa1: {  	s23 =	simm.s32 $0x1B8B  }
0xa2: {  	_ =	swait.ge [sflag:s23], $0x1  }
0xa3: {  	[sflag:s23] =	ssyncset.done $0x0  }
0xa4: {  	s25 =	simm.s32 $0x1B8E;
	s24 =	sld [smem:$0x3FFE];
	[sflag:s23] =	ssyncadd.s32 $0xFFFFFFFF  }
0xa5: {  	s26 =	simm.s32 $execute0_lowered;
	[smem:$0x3FD2] =	sst s25  }
0xa6: {  	s5 =	sshll.u32 s26, $0x1;
	_ =	strace $0x8000004C;
	[dreg:$0x1] =	wrdreg $0xFFFFFFFF  }
0xa7: {  	s28 =	simm.s32 $_size_execute0_lowered;
	s3 =	sadd.s32 s3, s5;
	[dreg:$0x0] =	wrdreg $0x0  }
0xa8: {  	s5 =	sshll.u32 s28, $0x1;
	[dreg:$0x2] =	wrdreg s3  }
0xa9: {  	[dreg:$0x3] =	wrdreg s5  }
0xaa: {  	[dreg:$0x4] =	wrdreg $0xC0  }
0xab: {  	_ =	task [dreg:s7], $0x5FFFF  }
0xac: {  	[dreg:$0x1] =	wrdreg $0xFFFFFFFF  }
0xad: {  	[dreg:$0x0] =	wrdreg $0x60  }
0xae: {  	[dreg:$0x2] =	wrdreg s2  }
0xaf: {  	[dreg:$0x3] =	wrdreg s24  }
0xb0: {  	[dreg:$0x4] =	wrdreg $0x57000  }
0xb1: {  	[dreg:$0x5] =	wrdreg $0x9  }
0xb2: {  	_ =	task.clear_ibuf [dreg:s7], $0x6FFFF;
	_ =	strace $0x9000004C  }
0xb3: {  	s29 =	simm.s32 $0x9;
	_ =	strace $0x8000004E  }
0xb4: {  	_ =	swait.ge [sflag:s29], $0x1  }
0xb5: {  	[sflag:s29] =	ssyncadd.s32 $0xFFFFFFFF  }
0xb6: {  	_ =	strace $0x9000004E  }
0xb7: {  	_ =	sfence  }
0xb8: {  	s30 =	sld [smem:$0x0];
	_ =	sdelay $0x2  }
0xb9: {  	s31 =	sshll.u32 s1, $0xD;
	s1 =	sshrl.u32 s1, $0x2  }
0xba: {  	s3 =	sand.u32 $0x4000, s31;
	s1 =	sadd.s32 s1, s30  }
0xbb: {  	s0 =	sor.u32 s3, s0;
	s1 =	sshll.u32 s1, $0x11  }
0xbc: {  	s0 =	sor.u32 s1, s0  }
0xbd: {  	s0 =	sadd.s32 $0x8F2B, s0  }
0xbe: {  	[sflag:s0] =	ssyncadd.remote.s32 $0x1  }
0xbf: {  	_ =	sfence.sel $0xFFFF  }
0xc0: {  	[dreg:$0x0] =	wrdreg $0xFFFFFFFF;
	(pc) =	sbr.abs _section_cstart, $3  }
0xc1: {  	[dreg:$0x1] =	wrdreg $0xFFFFFFFF  }
0xc2: {  	_ =	task.clear_ibuf [dreg:s7], $0x2FFFF;
	_ =	strace $0x9FFFFFFF  }
0xc3: {  	(tm) =	ssettm $0x7FFFFFFF  }
tec
execute0_lowered:
.L_overlay_start_1:
0x0: {  	(tag) =	ssettag $0x1  }
0x1: {  	s0 =	rddreg [dreg:$0x0]  }
0x2: {  	s1 =	srdreg.scid;
	s6 =	rddreg [dreg:$0x1]  }
0x3: {  	s3 =	rddreg [dreg:$0x2];
	s2 =	stileid.u32  }
0x4: {  	s4 =	simm.s32 $0x0;
	s28 =	simm.s32 $0x80;
	s29 =	simm.s32 $0x1  }
0x5: {  	s30 =	simm.s32 $0x0;
	s1 =	sand.u32 $0x1, s1;
	s9 =	smul.u32 $0xA000, s2  }
0x6: {  	[smem:$0x7FF] =	sst s4;
	s23 =	sadd.s32 $0xC000, s6;
	s19 =	smul.u32 $0x2800, s2  }
0x7: {  	s5 =	sshll.u32 s1, $0x4;
	_ =	strace $0x8000004D;
	s7 =	ssub.s32 $0x2, s1  }
0x8: {  	s1 =	smul.u32 $0x28000, s1;
	s5 =	sor.u32 s2, s5;
	s25 =	sshrl.u32 s7, $0x1  }
0x9: {  	s26 =	sshrl.u32 s9, $0x2;
	s9 =	sadd.s32 s19, s3;
	s16 =	sadd.s32 $0x800, s19  }
0xa: {  	s20 =	sadd.s32 $0x1000, s19;
	s21 =	sadd.s32 $0x1800, s19;
	s22 =	sadd.s32 $0x2000, s19  }
0xb: {  	s5 =	smul.u32 $0x4F0, s5;
	s10 =	ssub.s32 s7, s25;
	s14 =	sadd.s32 s1, s19  }
0xc: {  	s17 =	sadd.s32 s1, s16;
	s16 =	sadd.s32 s16, s3;
	s18 =	sadd.s32 s20, s3  }
0xd: {  	s20 =	sadd.s32 s1, s20;
	s24 =	sadd.s32 s1, s21;
	s1 =	sadd.s32 s1, s22  }
0xe: {  	s22 =	sadd.s32 s22, s3;
	s25 =	simm.s32 $0x2;
	s10 =	smax.u32 s10, $0x1  }
0xf: {  	s15 =	sshrl.u32 s14, $0x3;
	s17 =	sshrl.u32 s17, $0x3;
	s20 =	sshrl.u32 s20, $0x3  }
0x10: {  	s31 =	sshrl.u32 s24, $0x3;
	s1 =	sshrl.u32 s1, $0x3;
	s24 =	simm.s32 $0x4F00  }
0x11: {  	s8 =	sadd.s32 s5, s6;
	s5 =	sadd.s32 $0xBE00, s6;
	s6 =	sadd.s32 s26, s3  }
0x12: {  	s15 =	sadd.s32 s23, s15;
	s17 =	sadd.s32 s23, s17;
	s19 =	sadd.s32 s23, s20  }
0x13: {  	s20 =	sadd.s32 s21, s3;
	s21 =	sadd.s32 s23, s31;
	s23 =	sadd.s32 s23, s1  }
0x14: {  	s7 =	sadd.s32 $0x16000, s8;
	s8 =	sadd.s32 $0x2000, s8;
	s11 =	sadd.s32 $0x800, s6  }
0x15: {  	s12 =	sadd.s32 $0x1000, s6;
	s13 =	sadd.s32 $0x1800, s6;
	s14 =	sadd.s32 $0x2000, s6  }
.LBB2_1:
0x16: {  	[tilespmem:s24], [sflag:$0x2] =	stream.linear.gather [hbm4b:s5+s4], $0x800, $0x38;
	[tilespmem:$0x7F00] =	vst v63  }
0x17: {  	_ =	swait.ge [sflag:s25], $0x800  }
0x18: {  	[sflag:s25] =	ssyncset.done $0x0  }
0x19: {  	[sflag:s25] =	ssyncadd.s32 $0xFFFFF800  }
0x1a: {  	[spmem:s6] =	stream.linear.scatter [tilespmem:s24], [sflag:$0x2], $0x800, $0x38;
	[tilespmem:$0x7F00] =	vst v63  }
0x1b: {  	_ =	swait.ge [sflag:s25], $0x800  }
0x1c: {  	[sflag:s25] =	ssyncset.done $0x0  }
0x1d: {  	[sflag:s25] =	ssyncadd.s32 $0xFFFFF800  }
0x1e: {  	[spmem:s11] =	stream.linear.scatter [tilespmem:s24], [sflag:$0x2], $0x800, $0x38;
	[tilespmem:$0x7F00] =	vst v63  }
0x1f: {  	_ =	swait.ge [sflag:s25], $0x800  }
0x20: {  	[sflag:s25] =	ssyncset.done $0x0  }
0x21: {  	[sflag:s25] =	ssyncadd.s32 $0xFFFFF800  }
0x22: {  	[spmem:s12] =	stream.linear.scatter [tilespmem:s24], [sflag:$0x2], $0x800, $0x38;
	[tilespmem:$0x7F00] =	vst v63  }
0x23: {  	_ =	swait.ge [sflag:s25], $0x800  }
0x24: {  	[sflag:s25] =	ssyncset.done $0x0  }
0x25: {  	[sflag:s25] =	ssyncadd.s32 $0xFFFFF800  }
0x26: {  	[spmem:s13] =	stream.linear.scatter [tilespmem:s24], [sflag:$0x2], $0x800, $0x38;
	[tilespmem:$0x7F00] =	vst v63  }
0x27: {  	_ =	swait.ge [sflag:s25], $0x800  }
0x28: {  	[sflag:s25] =	ssyncset.done $0x0  }
0x29: {  	[sflag:s25] =	ssyncadd.s32 $0xFFFFF800  }
0x2a: {  	[spmem:s14] =	stream.linear.scatter [tilespmem:s24], [sflag:$0x2], $0x800, $0x38;
	[tilespmem:$0x7F00] =	vst v63  }
0x2b: {  	_ =	swait.ge [sflag:s25], $0x800  }
0x2c: {  	[sflag:s25] =	ssyncset.done $0x0  }
0x2d: {  	[sflag:s25] =	ssyncadd.s32 $0xFFFFF800  }
0x2e: {  	[tilespmem:s4], [sflag:$0x2] =	stream.linear.gather [hbm4b:s7+s4], $0x2780, $0x38;
	[tilespmem:$0x7F00] =	vst v63  }
0x2f: {  	_ =	swait.ge [sflag:s25], $0x2780  }
0x30: {  	[sflag:s25] =	ssyncset.done $0x0  }
0x31: {  	s1 =	simm.s32 $0x2780;
	[sflag:s25] =	ssyncadd.s32 $0xFFFFD880  }
0x32: {  	[tilespmem:s1], [sflag:$0x2] =	stream.linear.gather [hbm4b:s8+s4], $0x2780, $0x38;
	[tilespmem:$0x7F00] =	vst v63  }
0x33: {  	_ =	swait.ge [sflag:s25], $0x2780  }
0x34: {  	[sflag:s25] =	ssyncset.done $0x0  }
0x35: {  	[sflag:s25] =	ssyncadd.s32 $0xFFFFD880  }
0x36: {  	s2 =	simm.s32 $0x0;
	[bflag:$0x0] =	sbarrier.arrive $0xFFFF  }
0x37: {  	[tilespmem:s24], [sflag:$0x1] =	stream.indirect.gather [hbm4b:s0+s28], $0x10, s2, s28, $0xb8;
	[tilespmem:$0x7F00] =	vst v63  }
0x38: {  	_ =	swait.ge [sflag:s29], $0x800  }
0x39: {  	[sflag:s29] =	ssyncset.done $0x0  }
0x3a: {  	s26 =	simm.s32 $0x2780;
	[sflag:s29] =	ssyncadd.s32 $0xFFFFF800  }
0x3b: {  	[spmem:s3] =	stream.indirect.scatter.add.f32 [tilespmem:s24], [sflag:$0x2], $0x10, s26, s28, $0xb8;
	[tilespmem:$0x7F00] =	vst v63  }
0x3c: {  	_ =	swait.ge [sflag:s25], $0x800  }
0x3d: {  	s31 =	simm.s32 $0x200;
	s1 =	simm.s32 $0x400;
	[sflag:s25] =	ssyncset.done $0x0  }
.LBB2_2:
0x3e: {  	s2 =	sshra.s32 s31, $0x2  }
0x3f: {  	[sflag:s25] =	ssyncadd.s32 $0xFFFFF800;
	s31 =	smov.u32 s1;
	s26 =	sadd.s32 $0x200, s1  }
0x40: {  	[tilespmem:s24], [sflag:$0x1] =	stream.indirect.gather [hbm4b:s0+s28], $0x10, s2, s28, $0xb8;
	[tilespmem:$0x7F00] =	vst v63  }
0x41: {  	p0 =	sne.s32 s1, $0x9C00;
	_ =	swait.ge [sflag:s29], $0x800  }
.Ltmp0:
0x42: {  	[sflag:s29] =	ssyncset.done $0x0;
	(pc) =	sbr.rel @p0 .LBB2_2-.Ltmp0, $4  }
0x43: {  	s1 =	sadd.s32 $0x2780, s2;
	[sflag:s29] =	ssyncadd.s32 $0xFFFFF800  }
0x44: {  	[spmem:s3] =	stream.indirect.scatter.add.f32 [tilespmem:s24], [sflag:$0x2], $0x10, s1, s28, $0xb8;
	[tilespmem:$0x7F00] =	vst v63  }
0x45: {  	_ =	swait.ge [sflag:s25], $0x800  }
0x46: {  	s1 =	smov.u32 s26;
	[sflag:s25] =	ssyncset.done $0x0  }
0x47: {  	s1 =	sshra.s32 s31, $0x2;
	[sflag:s25] =	ssyncadd.s32 $0xFFFFF800  }
0x48: {  	[tilespmem:s24], [sflag:$0x1] =	stream.indirect.gather [hbm4b:s0+s28], $0x10, s1, s28, $0xb8;
	[tilespmem:$0x7F00] =	vst v63  }
0x49: {  	_ =	swait.ge [sflag:s29], $0x800  }
0x4a: {  	[sflag:s29] =	ssyncset.done $0x0  }
0x4b: {  	s1 =	sadd.s32 $0x2780, s1;
	[sflag:s29] =	ssyncadd.s32 $0xFFFFF800  }
0x4c: {  	[spmem:s3] =	stream.indirect.scatter.add.f32 [tilespmem:s24], [sflag:$0x2], $0x10, s1, s28, $0xb8;
	[tilespmem:$0x7F00] =	vst v63  }
0x4d: {  	_ =	swait.ge [sflag:s25], $0x800  }
0x4e: {  	[sflag:s25] =	ssyncset.done $0x0  }
0x4f: {  	[sflag:s25] =	ssyncadd.s32 $0xFFFFF800  }
0x50: {  	[bflag:$0x0] =	sbarrier.arrive $0xFFFF  }
0x51: {  	[tilespmem:s24], [sflag:$0x2] =	stream.linear.gather [spmem:s9], $0x800, $0x38;
	[tilespmem:$0x7F00] =	vst v63  }
0x52: {  	_ =	swait.ge [sflag:s25], $0x800  }
0x53: {  	[sflag:s25] =	ssyncset.done $0x0  }
0x54: {  	[sflag:s25] =	ssyncadd.s32 $0xFFFFF800  }
0x55: {  	[hbm4b:s15+s4] =	stream.linear.scatter [tilespmem:s24], [sflag:$0x2], $0x800, $0x38;
	[tilespmem:$0x7F00] =	vst v63  }
0x56: {  	_ =	swait.ge [sflag:s25], $0x800  }
0x57: {  	[sflag:s25] =	ssyncset.done $0x0  }
0x58: {  	[sflag:s25] =	ssyncadd.s32 $0xFFFFF800  }
0x59: {  	[tilespmem:s24], [sflag:$0x2] =	stream.linear.gather [spmem:s16], $0x800, $0x38;
	[tilespmem:$0x7F00] =	vst v63  }
0x5a: {  	_ =	swait.ge [sflag:s25], $0x800  }
0x5b: {  	[sflag:s25] =	ssyncset.done $0x0  }
0x5c: {  	[sflag:s25] =	ssyncadd.s32 $0xFFFFF800  }
0x5d: {  	[hbm4b:s17+s4] =	stream.linear.scatter [tilespmem:s24], [sflag:$0x2], $0x800, $0x38;
	[tilespmem:$0x7F00] =	vst v63  }
0x5e: {  	_ =	swait.ge [sflag:s25], $0x800  }
0x5f: {  	[sflag:s25] =	ssyncset.done $0x0  }
0x60: {  	[sflag:s25] =	ssyncadd.s32 $0xFFFFF800  }
0x61: {  	[tilespmem:s24], [sflag:$0x2] =	stream.linear.gather [spmem:s18], $0x800, $0x38;
	[tilespmem:$0x7F00] =	vst v63  }
0x62: {  	_ =	swait.ge [sflag:s25], $0x800  }
0x63: {  	[sflag:s25] =	ssyncset.done $0x0  }
0x64: {  	[sflag:s25] =	ssyncadd.s32 $0xFFFFF800  }
0x65: {  	[hbm4b:s19+s4] =	stream.linear.scatter [tilespmem:s24], [sflag:$0x2], $0x800, $0x38;
	[tilespmem:$0x7F00] =	vst v63  }
0x66: {  	_ =	swait.ge [sflag:s25], $0x800  }
0x67: {  	[sflag:s25] =	ssyncset.done $0x0  }
0x68: {  	[sflag:s25] =	ssyncadd.s32 $0xFFFFF800  }
0x69: {  	[tilespmem:s24], [sflag:$0x2] =	stream.linear.gather [spmem:s20], $0x800, $0x38;
	[tilespmem:$0x7F00] =	vst v63  }
0x6a: {  	_ =	swait.ge [sflag:s25], $0x800  }
0x6b: {  	[sflag:s25] =	ssyncset.done $0x0  }
0x6c: {  	[sflag:s25] =	ssyncadd.s32 $0xFFFFF800  }
0x6d: {  	[hbm4b:s21+s4] =	stream.linear.scatter [tilespmem:s24], [sflag:$0x2], $0x800, $0x38;
	[tilespmem:$0x7F00] =	vst v63  }
0x6e: {  	_ =	swait.ge [sflag:s25], $0x800  }
0x6f: {  	[sflag:s25] =	ssyncset.done $0x0  }
0x70: {  	[sflag:s25] =	ssyncadd.s32 $0xFFFFF800  }
0x71: {  	[tilespmem:s24], [sflag:$0x2] =	stream.linear.gather [spmem:s22], $0x800, $0x38;
	[tilespmem:$0x7F00] =	vst v63  }
0x72: {  	s30 =	sadd.s32 $0x1, s30;
	_ =	swait.ge [sflag:s25], $0x800  }
0x73: {  	p0 =	sne.s32 s30, s10;
	[sflag:s25] =	ssyncset.done $0x0  }
.Ltmp1:
0x74: {  	[sflag:s25] =	ssyncadd.s32 $0xFFFFF800;
	(pc) =	sbr.rel @p0 .LBB2_1-.Ltmp1, $4  }
0x75: {  	[hbm4b:s23+s4] =	stream.linear.scatter [tilespmem:s24], [sflag:$0x2], $0x800, $0x38;
	[tilespmem:$0x7F00] =	vst v63  }
0x76: {  	_ =	swait.ge [sflag:s25], $0x800  }
0x77: {  	[sflag:s25] =	ssyncset.done $0x0  }
0x78: {  	[sflag:s25] =	ssyncadd.s32 $0xFFFFF800  }
0x79: {  	_ =	sfence.sel $0x180000  }
0x7a: {  	[bflag:$0x0] =	sbarrier.arrive $0xFFFF  }
0x7b: {  	_ =	strace $0x9000004D  }
0x7c: {  	s0 =	stileid.u32;
	[bflag:$0x2] =	sbarrier.arrive $0xFFFF  }
0x7d: {  	p0 =	sne.s32 s0, $0x0;
	s0 =	rddreg [dreg:$0x3]  }
0x7e: {  	s0 =	sadd.s32 @!p0 $0x100000, s0  }
0x7f: {  	[sflag:s0] =	ssyncadd.tile.s32 @!p0 $0x1;
	_ =	shalt  }
.Lfunc_end2:
_tile_overlayer_lowered:
.L_overlay_start_2:
0x80: {  	(tag) =	ssettag $0x2  }
0x81: {  	s0 =	rddreg [dreg:$0x0];
	s2 =	stileid.u32  }
0x82: {  	s1 =	rddreg [dreg:$0x1];
	p0 =	sne.s32 s2, $0x0  }
0x83: {  	s3 =	rddreg [dreg:$0x2];
	[bflag:$0x3] =	sbarrier.arrive $0xFFFF;
	s2 =	simm.s32 @!p0 $0x1C02  }
0x84: {  	[timem:s3], [sflag:s2] =	dma.local @!p0 [hbm:s0], s1  }
0x85: {  	s0 =	simm.s32 @!p0 $0x2  }
0x86: {  	_ =	swait.ge @!p0 [sflag:s0], s1  }
0x87: {  	s1 =	ssub.s32 @!p0 $0x0, s1;
	[sflag:s0] =	ssyncset.done @!p0 $0x0  }
0x88: {  	[sflag:s0] =	ssyncadd.s32 @!p0 s1  }
0x89: {  	[bflag:$0x3] =	sbarrier.arrive $0xFFFF  }
0x8a: {  	_ =	shalt  }

// kernel: kernel.8.cloned.1.call-start
scs
__scs_entry_jumppad:
0x0: {  	(pc) =	sbr.rel $0x88, $3  }
0x1: {  	(tag) =	ssettag $0x0;
	lr =	simm.s32 $0x1  }
0x2: {  	[smem:$0x3F9B] =	sst lr;
	_ =	strace $0xD0000000  }
0x3: {  	_ = 	snop  }
0x4: {  	_ = 	snop  }
0x5: {  	_ = 	snop  }
0x6: {  	_ = 	snop  }
0x7: {  	_ = 	snop  }
__scs_overlays_trampoline_lowered:
0x8: {  	[smem:$0x3FAA] =	sst s0  }
0x9: {  	[smem:$0x3FAB] =	sst s1  }
0xa: {  	[smem:$0x3FAC] =	sst s2  }
0xb: {  	[smem:$0x3FAD] =	sst s3  }
0xc: {  	[smem:$0x3FAE] =	sst s4  }
0xd: {  	[smem:$0x3FAF] =	sst s5  }
0xe: {  	[smem:$0x3FB0] =	sst s6  }
0xf: {  	[smem:$0x3FB1] =	sst s7  }
0x10: {  	[smem:$0x3FB2] =	sst s8  }
0x11: {  	[smem:$0x3FB3] =	sst s9;
	s0 =	simm.s32 @!p0 $0x0  }
0x12: {  	s1 =	sld [smem:$0x3F99];
	s0 =	simm.s32 @p0 $0x1  }
0x13: {  	[smem:$0x3FB4] =	sst s0;
	s0 =	simm.s32 @!p1 $0x0  }
0x14: {  	s2 =	sld [smem:$0x3F98];
	s0 =	simm.s32 @p1 $0x1  }
0x15: {  	[smem:$0x3FB5] =	sst s0;
	s0 =	simm.s32 @!p2 $0x0  }
0x16: {  	s3 =	sld [smem:$0x3FDB];
	s0 =	simm.s32 @p2 $0x1  }
0x17: {  	s4 =	simm.s32 $0x1BF5;
	[smem:$0x3FB7] =	sst s0  }
0x18: {  	s0 =	sld [smem:$0x3F9A];
	_ =	swait.ge [sflag:s4], $0x0  }
0x19: {  	s7 =	sld [smem:$0x3F9B]  }
0x1a: {  	s8 =	sadd.s32 $0xFFFFE003, lr  }
0x1b: {  	s9 =	sadd.s32 $0xFFFFFEF7, lr;
	s5 =	simm.s32 $0xFFFFFFFF;
	p2 =	slt.u32 s8, $0xFFFFF086  }
0x1c: {  	p1 =	slt.u32 s9, $0xF7A;
	s5 =	simm.s32 @!p2 $0x0  }
0x1d: {  	s5 =	simm.s32 @p1 $0x1;
	p0 =	seq.s32 s7, s2  }
0x1e: {  	s7 =	smul.u32 @!p0 $0xF7A, s2;
	p2 =	seq.s32 @!p0 s5, $0x0  }
0x1f: {  	s9 =	smul.u32 $0xF7A, s1;
	s8 =	simm.s32 @!p0 $0x1BF5;
	p2 =	por !p2, p0  }
0x20: {  	[sflag:s8] =	ssyncset.s32 @!p0 $0xFFFFF086;
	s6 =	sadd.s32 @!p0 s3, s7;
	s7 =	simm.s32 @!p0 $0x108  }
0x21: {  	s3 =	sadd.s32 s3, s9;
	s6 =	sadd.s32 @!p0 $0x88, s6;
	s7 =	simm.s32 @p2 $0x1082  }
0x22: {  	[simem:s7], [sflag:s8] =	dma.local @!p0 [hbm:s6], $0xF7A  }
0x23: {  	s9 =	sor.u32 $0xD0000000, s2;
	s6 =	simm.s32 $0x108;
	_ =	swait.ge @!p0 [sflag:s8], $0x0  }
0x24: {  	s3 =	sadd.s32 $0x88, s3;
	s6 =	simm.s32 @!p1 $0x1082;
	[sflag:s4] =	ssyncset.s32 $0xFFFFF086  }
0x25: {  	[simem:s6], [sflag:s4] =	dma.local [hbm:s3], $0xF7A  }
0x26: {  	[smem:$0x3F9B] =	sst s1;
	(tag) =	ssettag s2;
	_ =	strace s9  }
0x27: {  	s1 =	sld [smem:$0x3FAB]  }
0x28: {  	s2 =	sld [smem:$0x3FAC]  }
0x29: {  	s4 =	sld [smem:$0x3FAE]  }
0x2a: {  	p0 =	seq.s32 s5, $0x0;
	s5 =	sld [smem:$0x3FAF]  }
0x2b: {  	s6 =	sld [smem:$0x3FB0]  }
0x2c: {  	s7 =	sld [smem:$0x3FB1]  }
0x2d: {  	s3 =	simm.s32 $0x108;
	s8 =	sld [smem:$0x3FB2]  }
0x2e: {  	s3 =	simm.s32 @!p0 $0x1082;
	s9 =	sld [smem:$0x3FB3]  }
0x2f: {  	lr =	sadd.s32 s0, s3;
	s0 =	sld [smem:$0x3FAA]  }
0x30: {  	s3 =	sld [smem:$0x3FAD]  }
0x31: {  	[smem:$0x3FB6] =	sst s10  }
0x32: {  	s10 =	sld [smem:$0x3FB4];
	_ =	sdelay $0x3  }
0x33: {  	p0 =	seq.s32 s10, $0x1;
	s10 =	sld [smem:$0x3FB6];
	_ =	sdelay $0x3  }
0x34: {  	[smem:$0x3FB6] =	sst s10  }
0x35: {  	s10 =	sld [smem:$0x3FB5];
	_ =	sdelay $0x3  }
0x36: {  	p1 =	seq.s32 s10, $0x1;
	s10 =	sld [smem:$0x3FB6];
	_ =	sdelay $0x3  }
0x37: {  	[smem:$0x3FB6] =	sst s10  }
0x38: {  	s10 =	sld [smem:$0x3FB7]  }
0x39: {  	_ = 	snop;
	(pc) =	sbr.ind lr, $3  }
0x3a: {  	_ = 	snop  }
0x3b: {  	_ = 	snop  }
0x3c: {  	p2 =	seq.s32 s10, $0x1;
	s10 =	sld [smem:$0x3FB6]  }
0x3d: {  	_ =	shalt  }
0x3e: {  	_ =	shalt  }
0x3f: {  	_ =	shalt  }
0x40: {  	_ =	shalt  }
0x41: {  	_ =	shalt  }
0x42: {  	_ =	shalt  }
0x43: {  	_ =	shalt  }
0x44: {  	_ =	shalt  }
0x45: {  	_ =	shalt  }
0x46: {  	_ =	shalt  }
0x47: {  	_ =	shalt  }
0x48: {  	_ =	shalt  }
0x49: {  	_ =	shalt  }
0x4a: {  	_ =	shalt  }
0x4b: {  	_ =	shalt  }
0x4c: {  	_ =	shalt  }
0x4d: {  	_ =	shalt  }
0x4e: {  	_ =	shalt  }
0x4f: {  	_ =	shalt  }
0x50: {  	_ =	shalt  }
0x51: {  	_ =	shalt  }
0x52: {  	_ =	shalt  }
0x53: {  	_ =	shalt  }
0x54: {  	_ =	shalt  }
0x55: {  	_ =	shalt  }
0x56: {  	_ =	shalt  }
0x57: {  	_ =	shalt  }
0x58: {  	_ =	shalt  }
0x59: {  	_ =	shalt  }
0x5a: {  	_ =	shalt  }
0x5b: {  	_ =	shalt  }
0x5c: {  	_ =	shalt  }
0x5d: {  	_ =	shalt  }
0x5e: {  	_ =	shalt  }
0x5f: {  	_ =	shalt  }
0x60: {  	_ =	shalt  }
0x61: {  	_ =	shalt  }
0x62: {  	_ =	shalt  }
0x63: {  	_ =	shalt  }
0x64: {  	_ =	shalt  }
0x65: {  	_ =	shalt  }
0x66: {  	_ =	shalt  }
0x67: {  	_ =	shalt  }
0x68: {  	_ =	shalt  }
0x69: {  	_ =	shalt  }
0x6a: {  	_ =	shalt  }
0x6b: {  	_ =	shalt  }
0x6c: {  	_ =	shalt  }
0x6d: {  	_ =	shalt  }
0x6e: {  	_ =	shalt  }
0x6f: {  	_ =	shalt  }
0x70: {  	_ =	shalt  }
0x71: {  	_ =	shalt  }
0x72: {  	_ =	shalt  }
0x73: {  	_ =	shalt  }
0x74: {  	_ =	shalt  }
0x75: {  	_ =	shalt  }
0x76: {  	_ =	shalt  }
0x77: {  	_ =	shalt  }
0x78: {  	_ =	shalt  }
0x79: {  	_ =	shalt  }
0x7a: {  	_ =	shalt  }
0x7b: {  	_ =	shalt  }
0x7c: {  	_ =	shalt  }
0x7d: {  	_ =	shalt  }
0x7e: {  	_ =	shalt  }
0x7f: {  	_ =	shalt  }
0x80: {  	_ =	shalt  }
0x81: {  	_ =	shalt  }
0x82: {  	_ =	shalt  }
0x83: {  	_ =	shalt  }
0x84: {  	_ =	shalt  }
0x85: {  	_ =	shalt  }
0x86: {  	_ =	shalt  }
0x87: {  	_ =	shalt  }
.Lfunc_end0:
.L_simem_size_0:
called_computation_lowered:
.L_overlay_start_0:
0x88: {  	s2 =	sld [smem:$0x3FD9]  }
0x89: {  	s3 =	sld [smem:$0x3FFE];
	_ =	sdelay $0x1  }
0x8a: {  	s1 =	srdreg.scid  }
0x8b: {  	s0 =	sand.u32 $0x1, s1  }
0x8c: {  	s17 =	sshll.u32 s0, $0xA;
	s2 =	sadd.s32 s3, s2  }
0x8d: {  	s2 =	sadd.s32 s2, s17  }
0x8e: {  	[smem:$0x3FC2] =	sst s2  }
0x8f: {  	_ = 	snop  }
0x90: {  	s2 =	sld [smem:$0x3FD0];
	(tm) =	ssettm $0x1  }
0x91: {  	s18 =	sld [smem:$0x3FFB];
	_ =	sdelay $0x3  }
0x92: {  	_ =	strace s18  }
0x93: {  	s3 =	sld [smem:$0x3FFC];
	_ =	sdelay $0x3  }
0x94: {  	_ =	strace s3  }
0x95: {  	s3 =	sld [smem:$0x3FFD];
	_ =	sdelay $0x3  }
0x96: {  	_ =	strace s3  }
0x97: {  	_ =	strace $0x8FFFFFFF  }
0x98: {  	s19 =	sld [smem:$0x3FDB];
	_ =	sdelay $0x1  }
0x99: {  	s4 =	simm.s32 $_scs_section_size  }
0x9a: {  	s5 =	simm.s32 $_size__tile_overlayer_lowered;
	s6 =	simm.s32 $_tile_overlayer_lowered  }
0x9b: {  	s22 =	simm.s32 $0x1BFF;
	s21 =	sshll.u32 s6, $0x1;
	s3 =	sadd.s32 s4, s19  }
0x9c: {  	s7 =	simm.s32 $0x0;
	s20 =	sshll.u32 s5, $0x1;
	s5 =	sadd.s32 s21, s3  }
0x9d: {  	[timem:s7], [sflag:s22] =	dma.local [hbm:s5], s20  }
0x9e: {  	_ =	swait.ge [sflag:s22], s20  }
0x9f: {  	s4 =	ssub.s32 $0x0, s20;
	[sflag:s22] =	ssyncset.done $0x0  }
0xa0: {  	[sflag:s22] =	ssyncadd.s32 s4;
	_ =	sdelay $0x1  }
0xa1: {  	s23 =	simm.s32 $0x1B8B  }
0xa2: {  	_ =	swait.ge [sflag:s23], $0x1  }
0xa3: {  	[sflag:s23] =	ssyncset.done $0x0  }
0xa4: {  	s25 =	simm.s32 $0x1B8E;
	s24 =	sld [smem:$0x3FFE];
	[sflag:s23] =	ssyncadd.s32 $0xFFFFFFFF  }
0xa5: {  	s26 =	simm.s32 $execute0_lowered;
	[smem:$0x3FD2] =	sst s25  }
0xa6: {  	s5 =	sshll.u32 s26, $0x1;
	_ =	strace $0x80000046;
	[dreg:$0x1] =	wrdreg $0xFFFFFFFF  }
0xa7: {  	s28 =	simm.s32 $_size_execute0_lowered;
	s3 =	sadd.s32 s3, s5;
	[dreg:$0x0] =	wrdreg $0x0  }
0xa8: {  	s5 =	sshll.u32 s28, $0x1;
	[dreg:$0x2] =	wrdreg s3  }
0xa9: {  	[dreg:$0x3] =	wrdreg s5  }
0xaa: {  	[dreg:$0x4] =	wrdreg $0xC0  }
0xab: {  	_ =	task [dreg:s7], $0x5FFFF  }
0xac: {  	[dreg:$0x1] =	wrdreg $0xFFFFFFFF  }
0xad: {  	[dreg:$0x0] =	wrdreg $0x60  }
0xae: {  	[dreg:$0x2] =	wrdreg s24  }
0xaf: {  	[dreg:$0x3] =	wrdreg s2  }
0xb0: {  	[dreg:$0x4] =	wrdreg $0x37800  }
0xb1: {  	[dreg:$0x5] =	wrdreg $0x9  }
0xb2: {  	_ =	task.clear_ibuf [dreg:s7], $0x6FFFF;
	_ =	strace $0x90000046  }
0xb3: {  	s29 =	simm.s32 $0x9;
	_ =	strace $0x80000048  }
0xb4: {  	_ =	swait.ge [sflag:s29], $0x1  }
0xb5: {  	[sflag:s29] =	ssyncadd.s32 $0xFFFFFFFF  }
0xb6: {  	_ =	strace $0x90000048  }
0xb7: {  	_ =	sfence  }
0xb8: {  	s30 =	sld [smem:$0x0];
	_ =	sdelay $0x2  }
0xb9: {  	s31 =	sshll.u32 s1, $0xD;
	s1 =	sshrl.u32 s1, $0x2  }
0xba: {  	s3 =	sand.u32 $0x4000, s31;
	s1 =	sadd.s32 s1, s30  }
0xbb: {  	s0 =	sor.u32 s3, s0;
	s1 =	sshll.u32 s1, $0x11  }
0xbc: {  	s0 =	sor.u32 s1, s0  }
0xbd: {  	s0 =	sadd.s32 $0x8F2B, s0  }
0xbe: {  	[sflag:s0] =	ssyncadd.remote.s32 $0x1  }
0xbf: {  	_ =	sfence.sel $0xFFFF  }
0xc0: {  	[dreg:$0x0] =	wrdreg $0xFFFFFFFF;
	(pc) =	sbr.abs _section_cstart, $3  }
0xc1: {  	[dreg:$0x1] =	wrdreg $0xFFFFFFFF  }
0xc2: {  	_ =	task.clear_ibuf [dreg:s7], $0x2FFFF;
	_ =	strace $0x9FFFFFFF  }
0xc3: {  	(tm) =	ssettm $0x7FFFFFFF  }
tec
execute0_lowered:
.L_overlay_start_1:
0x0: {  	(tag) =	ssettag $0x1  }
0x1: {  	s6 =	rddreg [dreg:$0x0]  }
0x2: {  	s0 =	srdreg.scid;
	s2 =	rddreg [dreg:$0x1]  }
0x3: {  	s3 =	rddreg [dreg:$0x2];
	s4 =	simm.s32 $0x0;
	s25 =	simm.s32 $0x2F80  }
0x4: {  	s26 =	simm.s32 $0x80;
	s7 =	sand.u32 $0x1, s0;
	s0 =	stileid.u32  }
0x5: {  	s28 =	simm.s32 $0x1;
	s29 =	simm.s32 $0x0;
	s9 =	smul.u32 $0xA000, s0  }
0x6: {  	[smem:$0x7FF] =	sst s4;
	s22 =	sadd.s32 $0xC000, s6;
	s18 =	smul.u32 $0x2800, s0  }
0x7: {  	s1 =	sshll.u32 s7, $0x4;
	s30 =	ssub.s32 $0x2, s7;
	s19 =	smul.u32 $0x28000, s7  }
0x8: {  	s5 =	sor.u32 s0, s1;
	s1 =	rddreg [dreg:$0x3];
	_ =	strace $0x80000047  }
0x9: {  	s10 =	sshrl.u32 s30, $0x1;
	s5 =	smul.u32 $0x4F0, s5;
	s9 =	sshrl.u32 s9, $0x2  }
0xa: {  	s10 =	ssub.s32 s30, s10;
	s13 =	sadd.s32 s19, s18;
	s15 =	sadd.s32 $0x800, s18  }
0xb: {  	s20 =	sadd.s32 $0x1000, s18;
	s21 =	sadd.s32 $0x1800, s18;
	s23 =	sadd.s32 $0x2000, s18  }
0xc: {  	s14 =	sshrl.u32 s13, $0x3;
	s16 =	sadd.s32 s19, s15;
	s15 =	sadd.s32 s15, s3  }
0xd: {  	s17 =	sadd.s32 s20, s3;
	s20 =	sadd.s32 s19, s20;
	s31 =	sadd.s32 s19, s21  }
0xe: {  	s24 =	sadd.s32 s19, s23;
	s19 =	sadd.s32 s21, s3;
	s21 =	sadd.s32 s23, s3  }
0xf: {  	s23 =	simm.s32 $0x2780;
	s8 =	sadd.s32 s5, s6;
	s5 =	sadd.s32 $0xBE00, s6  }
0x10: {  	s6 =	sadd.s32 s9, s3;
	s9 =	smax.u32 s10, $0x1;
	s14 =	sadd.s32 s22, s14  }
0x11: {  	s16 =	sshrl.u32 s16, $0x3;
	s20 =	sshrl.u32 s20, $0x3;
	s24 =	sshrl.u32 s24, $0x3  }
0x12: {  	s7 =	sadd.s32 $0x2000, s8;
	s8 =	sadd.s32 s18, s3;
	s10 =	sadd.s32 $0x800, s6  }
0x13: {  	s11 =	sadd.s32 $0x1000, s6;
	s12 =	sadd.s32 $0x1800, s6;
	s13 =	sadd.s32 $0x2000, s6  }
0x14: {  	s16 =	sadd.s32 s22, s16;
	s18 =	sadd.s32 s22, s20;
	s20 =	sshrl.u32 s31, $0x3  }
0x15: {  	s20 =	sadd.s32 s22, s20;
	s22 =	sadd.s32 s22, s24;
	s24 =	simm.s32 $0x2  }
.LBB2_1:
0x16: {  	[tilespmem:s23], [sflag:$0x2] =	stream.linear.gather [hbm4b:s5+s4], $0x800, $0x38;
	[tilespmem:$0x5F80] =	vst v63  }
0x17: {  	_ =	swait.ge [sflag:s24], $0x800  }
0x18: {  	[sflag:s24] =	ssyncset.done $0x0  }
0x19: {  	[sflag:s24] =	ssyncadd.s32 $0xFFFFF800  }
0x1a: {  	[spmem:s6] =	stream.linear.scatter [tilespmem:s23], [sflag:$0x2], $0x800, $0x38;
	[tilespmem:$0x5F80] =	vst v63  }
0x1b: {  	_ =	swait.ge [sflag:s24], $0x800  }
0x1c: {  	[sflag:s24] =	ssyncset.done $0x0  }
0x1d: {  	[sflag:s24] =	ssyncadd.s32 $0xFFFFF800  }
0x1e: {  	[spmem:s10] =	stream.linear.scatter [tilespmem:s23], [sflag:$0x2], $0x800, $0x38;
	[tilespmem:$0x5F80] =	vst v63  }
0x1f: {  	_ =	swait.ge [sflag:s24], $0x800  }
0x20: {  	[sflag:s24] =	ssyncset.done $0x0  }
0x21: {  	[sflag:s24] =	ssyncadd.s32 $0xFFFFF800  }
0x22: {  	[spmem:s11] =	stream.linear.scatter [tilespmem:s23], [sflag:$0x2], $0x800, $0x38;
	[tilespmem:$0x5F80] =	vst v63  }
0x23: {  	_ =	swait.ge [sflag:s24], $0x800  }
0x24: {  	[sflag:s24] =	ssyncset.done $0x0  }
0x25: {  	[sflag:s24] =	ssyncadd.s32 $0xFFFFF800  }
0x26: {  	[spmem:s12] =	stream.linear.scatter [tilespmem:s23], [sflag:$0x2], $0x800, $0x38;
	[tilespmem:$0x5F80] =	vst v63  }
0x27: {  	_ =	swait.ge [sflag:s24], $0x800  }
0x28: {  	[sflag:s24] =	ssyncset.done $0x0  }
0x29: {  	[sflag:s24] =	ssyncadd.s32 $0xFFFFF800  }
0x2a: {  	[spmem:s13] =	stream.linear.scatter [tilespmem:s23], [sflag:$0x2], $0x800, $0x38;
	[tilespmem:$0x5F80] =	vst v63  }
0x2b: {  	_ =	swait.ge [sflag:s24], $0x800  }
0x2c: {  	[sflag:s24] =	ssyncset.done $0x0  }
0x2d: {  	[sflag:s24] =	ssyncadd.s32 $0xFFFFF800  }
0x2e: {  	[tilespmem:s25], [sflag:$0x2] =	stream.linear.gather [hbm4b:s2+s4], $0x800, $0x38;
	[tilespmem:$0x5F80] =	vst v63  }
0x2f: {  	_ =	swait.ge [sflag:s24], $0x800  }
0x30: {  	[sflag:s24] =	ssyncset.done $0x0  }
0x31: {  	[sflag:s24] =	ssyncadd.s32 $0xFFFFF800  }
0x32: {  	[tilespmem:s4], [sflag:$0x2] =	stream.linear.gather [hbm4b:s7+s4], $0x2780, $0x38;
	[tilespmem:$0x5F80] =	vst v63  }
0x33: {  	_ =	swait.ge [sflag:s24], $0x2780  }
0x34: {  	[sflag:s24] =	ssyncset.done $0x0  }
0x35: {  	[sflag:s24] =	ssyncadd.s32 $0xFFFFD880  }
0x36: {  	s30 =	simm.s32 $0x0;
	[bflag:$0x0] =	sbarrier.arrive $0xFFFF  }
.LBB2_2:
0x37: {  	p0 =	sne.s32 s30, $0x9C00  }
.Ltmp0:
0x38: {  	_ = 	snop;
	(pc) =	sbr.rel @p0 .LBB2_2-.Ltmp0, $3  }
0x39: {  	_ =	sdelay $0x1  }
0x3a: {  	s31 =	sshra.s32 s30, $0x2;
	s30 =	sadd.s32 $0x200, s30  }
0x3b: {  	[spmem:s3] =	stream.indirect.scatter.add.f32 [tilespmem:s25], [sflag:$0x1], $0x10, s31, s26, $0xb8;
	[tilespmem:$0x5F80] =	vst v63  }
0x3c: {  	_ =	swait.ge [sflag:s28], $0x800  }
0x3d: {  	s30 =	simm.s32 $0x4E;
	[sflag:s28] =	ssyncset.done $0x0  }
.LBB2_4:
0x3e: {  	p0 =	sne.s32 s30, $0x1;
	s30 =	sadd.s32 $0xFFFFFFFF, s30;
	[sflag:s28] =	ssyncadd.s32 $0xFFFFF800  }
.Ltmp1:
0x3f: {  	(pc) =	sbr.rel @p0 .LBB2_4-.Ltmp1, $3  }
0x40: {  	_ =	sdelay $0x1  }
0x41: {  	_ =	swait.ge [sflag:s28], $0x800  }
0x42: {  	[sflag:s28] =	ssyncset.done $0x0  }
0x43: {  	[sflag:s28] =	ssyncadd.s32 $0xFFFFF800  }
0x44: {  	[bflag:$0x0] =	sbarrier.arrive $0xFFFF  }
0x45: {  	[tilespmem:s23], [sflag:$0x2] =	stream.linear.gather [spmem:s8], $0x800, $0x38;
	[tilespmem:$0x5F80] =	vst v63  }
0x46: {  	_ =	swait.ge [sflag:s24], $0x800  }
0x47: {  	[sflag:s24] =	ssyncset.done $0x0  }
0x48: {  	[sflag:s24] =	ssyncadd.s32 $0xFFFFF800  }
0x49: {  	[hbm4b:s14+s4] =	stream.linear.scatter [tilespmem:s23], [sflag:$0x2], $0x800, $0x38;
	[tilespmem:$0x5F80] =	vst v63  }
0x4a: {  	_ =	swait.ge [sflag:s24], $0x800  }
0x4b: {  	[sflag:s24] =	ssyncset.done $0x0  }
0x4c: {  	[sflag:s24] =	ssyncadd.s32 $0xFFFFF800  }
0x4d: {  	[tilespmem:s23], [sflag:$0x2] =	stream.linear.gather [spmem:s15], $0x800, $0x38;
	[tilespmem:$0x5F80] =	vst v63  }
0x4e: {  	_ =	swait.ge [sflag:s24], $0x800  }
0x4f: {  	[sflag:s24] =	ssyncset.done $0x0  }
0x50: {  	[sflag:s24] =	ssyncadd.s32 $0xFFFFF800  }
0x51: {  	[hbm4b:s16+s4] =	stream.linear.scatter [tilespmem:s23], [sflag:$0x2], $0x800, $0x38;
	[tilespmem:$0x5F80] =	vst v63  }
0x52: {  	_ =	swait.ge [sflag:s24], $0x800  }
0x53: {  	[sflag:s24] =	ssyncset.done $0x0  }
0x54: {  	[sflag:s24] =	ssyncadd.s32 $0xFFFFF800  }
0x55: {  	[tilespmem:s23], [sflag:$0x2] =	stream.linear.gather [spmem:s17], $0x800, $0x38;
	[tilespmem:$0x5F80] =	vst v63  }
0x56: {  	_ =	swait.ge [sflag:s24], $0x800  }
0x57: {  	[sflag:s24] =	ssyncset.done $0x0  }
0x58: {  	[sflag:s24] =	ssyncadd.s32 $0xFFFFF800  }
0x59: {  	[hbm4b:s18+s4] =	stream.linear.scatter [tilespmem:s23], [sflag:$0x2], $0x800, $0x38;
	[tilespmem:$0x5F80] =	vst v63  }
0x5a: {  	_ =	swait.ge [sflag:s24], $0x800  }
0x5b: {  	[sflag:s24] =	ssyncset.done $0x0  }
0x5c: {  	[sflag:s24] =	ssyncadd.s32 $0xFFFFF800  }
0x5d: {  	[tilespmem:s23], [sflag:$0x2] =	stream.linear.gather [spmem:s19], $0x800, $0x38;
	[tilespmem:$0x5F80] =	vst v63  }
0x5e: {  	_ =	swait.ge [sflag:s24], $0x800  }
0x5f: {  	[sflag:s24] =	ssyncset.done $0x0  }
0x60: {  	[sflag:s24] =	ssyncadd.s32 $0xFFFFF800  }
0x61: {  	[hbm4b:s20+s4] =	stream.linear.scatter [tilespmem:s23], [sflag:$0x2], $0x800, $0x38;
	[tilespmem:$0x5F80] =	vst v63  }
0x62: {  	_ =	swait.ge [sflag:s24], $0x800  }
0x63: {  	[sflag:s24] =	ssyncset.done $0x0  }
0x64: {  	[sflag:s24] =	ssyncadd.s32 $0xFFFFF800  }
0x65: {  	[tilespmem:s23], [sflag:$0x2] =	stream.linear.gather [spmem:s21], $0x800, $0x38;
	[tilespmem:$0x5F80] =	vst v63  }
0x66: {  	s29 =	sadd.s32 $0x1, s29;
	_ =	swait.ge [sflag:s24], $0x800  }
0x67: {  	p0 =	sne.s32 s29, s9;
	[sflag:s24] =	ssyncset.done $0x0  }
.Ltmp2:
0x68: {  	[sflag:s24] =	ssyncadd.s32 $0xFFFFF800;
	(pc) =	sbr.rel @p0 .LBB2_1-.Ltmp2, $4  }
0x69: {  	[hbm4b:s22+s4] =	stream.linear.scatter [tilespmem:s23], [sflag:$0x2], $0x800, $0x38;
	[tilespmem:$0x5F80] =	vst v63  }
0x6a: {  	_ =	swait.ge [sflag:s24], $0x800  }
0x6b: {  	[sflag:s24] =	ssyncset.done $0x0  }
0x6c: {  	[sflag:s24] =	ssyncadd.s32 $0xFFFFF800  }
0x6d: {  	_ =	sfence.sel $0x180000  }
0x6e: {  	[bflag:$0x0] =	sbarrier.arrive $0xFFFF  }
0x6f: {  	p0 =	sne.s32 s0, $0x0;
	_ =	strace $0x90000047  }
0x70: {  	s0 =	sadd.s32 @!p0 $0x100000, s1;
	[bflag:$0x2] =	sbarrier.arrive $0xFFFF  }
0x71: {  	[sflag:s0] =	ssyncadd.tile.s32 @!p0 $0x1;
	_ =	shalt  }
.Lfunc_end2:
_tile_overlayer_lowered:
.L_overlay_start_2:
0x72: {  	(tag) =	ssettag $0x2  }
0x73: {  	s0 =	rddreg [dreg:$0x0];
	s2 =	stileid.u32  }
0x74: {  	s1 =	rddreg [dreg:$0x1];
	p0 =	sne.s32 s2, $0x0  }
0x75: {  	s3 =	rddreg [dreg:$0x2];
	[bflag:$0x3] =	sbarrier.arrive $0xFFFF;
	s2 =	simm.s32 @!p0 $0x1C02  }
0x76: {  	[timem:s3], [sflag:s2] =	dma.local @!p0 [hbm:s0], s1  }
0x77: {  	s0 =	simm.s32 @!p0 $0x2  }
0x78: {  	_ =	swait.ge @!p0 [sflag:s0], s1  }
0x79: {  	s1 =	ssub.s32 @!p0 $0x0, s1;
	[sflag:s0] =	ssyncset.done @!p0 $0x0  }
0x7a: {  	[sflag:s0] =	ssyncadd.s32 @!p0 s1  }
0x7b: {  	[bflag:$0x3] =	sbarrier.arrive $0xFFFF  }
0x7c: {  	_ =	shalt  }

</sc_bundles>
